<compile_context>
chip_gen: v7x
topology: tpu7x:2x2x1
jax: 0.10.2.dev20260603
libtpu: 0.0.44.dev20260713+nightly
codegen_flags: <defaults>
</compile_context>

<pallas_src>
import jax
import jax.numpy as jnp
from jax import lax
from jax.experimental import pallas as pl
from jax.experimental.pallas import tpu as pltpu, tpu_sc as plsc

N = 20000
MAX_DET = 100
IOU_THRESH = 0.5
NSUB = 16
L = 16
NPAD = 20480
PER = NPAD // NSUB
NVEC = PER // L

_SUPPRESSED = -1e9
_PAD_SCORE = -3e9
_PAD_COORD = 2e9
_NEG_HUGE = -3e38


def _nms_kernel(x1h, y1h, x2h, y2h, sh,
                out_h,
                x1v, y1v, x2v, y2v, areab, sm,
                cand, tb, rec, outr, psem):
    cid = lax.axis_index("c")
    sid = lax.axis_index("s")
    base = sid * PER

    rec[:] = jnp.zeros((L,), jnp.float32)
    pltpu.sync_copy(rec, cand.at[cid, 0, sid])
    pltpu.sync_copy(rec, cand.at[cid, 1, sid])

    pltpu.sync_copy(x1h.at[pl.ds(base, PER)], x1v)
    pltpu.sync_copy(y1h.at[pl.ds(base, PER)], y1v)
    pltpu.sync_copy(x2h.at[pl.ds(base, PER)], x2v)
    pltpu.sync_copy(y2h.at[pl.ds(base, PER)], y2v)
    pltpu.sync_copy(sh.at[pl.ds(base, PER)], sm)

    lanes = lax.iota(jnp.int32, L)

    def init_area(j, c):
        s = pl.ds(j * L, L)
        areab[s] = (x2v[s] - x1v[s]) * (y2v[s] - y1v[s])
        return c

    lax.fori_loop(0, NVEC, init_area, 0)

    col = [jnp.full((L,), c, jnp.int32) for c in range(16)]

    def step(k, carry):
        sx1, sy1, sx2, sy2, sarea = carry
        ph = lax.rem(k, 2)

        def pass_body(jo, rc):
            rmax, ridx = rc
            for ji in range(4):
                j = jo * 4 + ji
                s = pl.ds(j * L, L)
                bx1 = x1v[s]
                by1 = y1v[s]
                bx2 = x2v[s]
                by2 = y2v[s]
                ab = areab[s]
                sv = sm[s]
                ix1 = jnp.maximum(sx1, bx1)
                iy1 = jnp.maximum(sy1, by1)
                ix2 = jnp.minimum(sx2, bx2)
                iy2 = jnp.minimum(sy2, by2)
                inter = (jnp.maximum(ix2 - ix1, 0.0)
                         * jnp.maximum(iy2 - iy1, 0.0))
                iou = inter / (sarea + ab - inter + 1e-8)
                ns = jnp.where(iou > IOU_THRESH, _SUPPRESSED, sv)
                sm[s] = ns
                better = ns > rmax
                rmax = jnp.where(better, ns, rmax)
                ridx = jnp.where(better, lanes + (base + j * L), ridx)
            return (rmax, ridx)

        rmax0 = jnp.full((L,), _NEG_HUGE, jnp.float32)
        ridx0 = jnp.zeros((L,), jnp.int32)
        rmax, ridx = lax.fori_loop(0, NVEC // 4, pass_body, (rmax0, ridx0))

        mloc = jnp.max(rmax)
        iloc = jnp.min(jnp.where(rmax == mloc, ridx, jnp.int32(2**31 - 1)))
        li_vec = jnp.zeros((L,), jnp.int32) + (iloc - base)
        vkf = (k + 1).astype(jnp.float32)

        rv = jnp.where(lanes == 0, mloc, 0.0)
        rv = jnp.where(lanes == 1, iloc.astype(jnp.float32), rv)
        rv = jnp.where(lanes == 2, plsc.load_gather(x1v, [li_vec]), rv)
        rv = jnp.where(lanes == 3, plsc.load_gather(y1v, [li_vec]), rv)
        rv = jnp.where(lanes == 4, plsc.load_gather(x2v, [li_vec]), rv)
        rv = jnp.where(lanes == 5, plsc.load_gather(y2v, [li_vec]), rv)
        rv = jnp.where(lanes == 6, plsc.load_gather(areab, [li_vec]), rv)
        rv = jnp.where((lanes == 7) | (lanes == 8) | (lanes == 15), vkf, rv)
        rec[:] = rv
        pub = pltpu.make_async_copy(rec, cand.at[cid, ph, sid], psem)
        pub.start()

        def spin_body(st):
            pltpu.sync_copy(cand.at[cid, ph], tb)
            v7 = plsc.load_gather(tb, [lanes, col[7]])
            v8 = plsc.load_gather(tb, [lanes, col[8]])
            v15 = plsc.load_gather(tb, [lanes, col[15]])
            okv = (v7 == vkf) & (v8 == vkf) & (v15 == vkf)
            return jnp.min(jnp.where(okv, jnp.int32(1), jnp.int32(0)))

        lax.while_loop(lambda st: st == 0, spin_body, jnp.int32(0))
        pub.wait()

        valc = plsc.load_gather(tb, [lanes, col[0]])
        idxc = plsc.load_gather(tb, [lanes, col[1]])
        m = jnp.max(valc)
        win = valc == m
        gidxf = jnp.min(jnp.where(win, idxc, 3e38))
        gidx = gidxf.astype(jnp.int32)
        wrow = jnp.zeros((L,), jnp.int32) + gidx // PER
        wx1 = plsc.load_gather(tb, [wrow, col[2]])
        wy1 = plsc.load_gather(tb, [wrow, col[3]])
        wx2 = plsc.load_gather(tb, [wrow, col[4]])
        wy2 = plsc.load_gather(tb, [wrow, col[5]])
        wa = plsc.load_gather(tb, [wrow, col[6]])

        @pl.when((cid == 0) & (sid == 0))
        def _():
            bv = jnp.where(lanes == 0, wx1, 0.0)
            bv = jnp.where(lanes == 1, wy1, bv)
            bv = jnp.where(lanes == 2, wx2, bv)
            bv = jnp.where(lanes == 3, wy2, bv)
            bv = jnp.where(lanes == 4, jnp.where(m > -1e8, m, 0.0), bv)
            bv = jnp.where(lanes == 5, gidxf, bv)
            outr[pl.ds(k * L, L)] = bv

        return (wx1, wy1, wx2, wy2, wa)

    z = jnp.full((L,), 3e9, jnp.float32)
    init = (z, z, z, z, jnp.zeros((L,), jnp.float32))
    lax.fori_loop(0, MAX_DET, step, init)

    @pl.when((cid == 0) & (sid == 0))
    def _():
        pltpu.sync_copy(outr, out_h)


@jax.jit
def kernel(boxes, scores):
    padc = jnp.full((NPAD - N,), _PAD_COORD, jnp.float32)
    x1 = jnp.concatenate([boxes[:, 0], padc])
    y1 = jnp.concatenate([boxes[:, 1], padc])
    x2 = jnp.concatenate([boxes[:, 2], padc])
    y2 = jnp.concatenate([boxes[:, 3], padc])
    sp = jnp.concatenate([scores,
                          jnp.full((NPAD - N,), _PAD_SCORE, jnp.float32)])

    mesh = plsc.VectorSubcoreMesh(core_axis_name="c", subcore_axis_name="s",
                                  num_cores=2, num_subcores=NSUB)
    run = pl.kernel(
        _nms_kernel,
        out_type=jax.ShapeDtypeStruct((MAX_DET * L,), jnp.float32),
        mesh=mesh,
        compiler_params=pltpu.CompilerParams(needs_layout_passes=False),
        scratch_types=[
            pltpu.VMEM((PER,), jnp.float32),
            pltpu.VMEM((PER,), jnp.float32),
            pltpu.VMEM((PER,), jnp.float32),
            pltpu.VMEM((PER,), jnp.float32),
            pltpu.VMEM((PER,), jnp.float32),
            pltpu.VMEM((PER,), jnp.float32),
            pltpu.HBM((2, 2, NSUB, L), jnp.float32),
            pltpu.VMEM((NSUB, L), jnp.float32),
            pltpu.VMEM((L,), jnp.float32),
            pltpu.VMEM((MAX_DET * L,), jnp.float32),
            pltpu.SemaphoreType.DMA,
        ],
    )
    r = run(x1, y1, x2, y2, sp).reshape(MAX_DET, L)
    return r[:, :4], r[:, 4], r[:, 5].astype(jnp.int32)

# --- scband reference (transcript-rebuilt; emitter-appended) ---
"""Pipeline reference for scband-faster-rcnn-47536698032823 (READ-ONLY COPY).

The authoritative reference and input builder live on the scoring server;
editing this copy changes nothing except your own understanding.
"""

import jax, jax.numpy as jnp
import numpy as np

N = 20000
MAX_DET = 100
IOU_THRESH = 0.5


def setup_inputs(seed: int = 0) -> dict:
    key = jax.random.key(seed)
    k1, k2, k3 = jax.random.split(key, 3)
    xy = jax.random.uniform(k1, (N, 2), dtype=jnp.float32) * 1000.0
    wh = jax.random.uniform(k2, (N, 2), dtype=jnp.float32) * 200.0 + 1.0
    boxes = jnp.concatenate([xy, xy + wh], axis=1)
    scores = jax.random.uniform(k3, (N,), dtype=jnp.float32)
    return {"boxes": boxes, "scores": scores}


def _iou_one_vs_all(box, boxes):
    x1 = jnp.maximum(box[0], boxes[:, 0])
    y1 = jnp.maximum(box[1], boxes[:, 1])
    x2 = jnp.minimum(box[2], boxes[:, 2])
    y2 = jnp.minimum(box[3], boxes[:, 3])
    inter = jnp.maximum(x2 - x1, 0.0) * jnp.maximum(y2 - y1, 0.0)
    area_a = (box[2] - box[0]) * (box[3] - box[1])
    area_b = (boxes[:, 2] - boxes[:, 0]) * (boxes[:, 3] - boxes[:, 1])
    return inter / (area_a + area_b - inter + 1e-8)


def _nms(boxes, scores):
    # greedy class-agnostic NMS, fixed max_det output (faster-RCNN test-time NMS)
    def step(scores_m, _):
        idx = jnp.argmax(scores_m)          # highest remaining score
        sel_box = jnp.take(boxes, idx, axis=0)
        sel_score = jnp.take(scores, idx)
        valid = (jnp.take(scores_m, idx) > -1e8).astype(sel_score.dtype)
        ious = _iou_one_vs_all(sel_box, boxes)
        suppress = ious > IOU_THRESH
        new_scores = jnp.where(suppress, -1e9, scores_m)
        new_scores = new_scores.at[idx].set(-1e9)
        return new_scores, (sel_box, sel_score * valid, idx)

    _, (keep_boxes, keep_scores, keep_idx) = jax.lax.scan(
        step, scores, None, length=MAX_DET)
    return keep_boxes, keep_scores, keep_idx


def reference(boxes, scores):
    keep_boxes, keep_scores, keep_idx = _nms(boxes, scores)
    return keep_boxes, keep_scores, keep_idx

if __name__ == "__main__":
    import jax
    _d = setup_inputs()
    print(jax.jit(kernel)(*tuple(_d.values())))

</pallas_src>

<mosaic_0001>
#map = affine_map<(d0, d1) -> (0)>
module attributes {stable_mosaic.version = 14 : i64} {
  func.func @_nms_kernel(%arg0: i32, %arg1: i32, %arg2: memref<20480xf32, #tpu.memory_space<hbm>>, %arg3: memref<20480xf32, #tpu.memory_space<hbm>>, %arg4: memref<20480xf32, #tpu.memory_space<hbm>>, %arg5: memref<20480xf32, #tpu.memory_space<hbm>>, %arg6: memref<20480xf32, #tpu.memory_space<hbm>>, %arg7: memref<1600xf32, #tpu.memory_space<hbm>>, %arg8: memref<1280xf32, #tpu.memory_space<vmem>>, %arg9: memref<1280xf32, #tpu.memory_space<vmem>>, %arg10: memref<1280xf32, #tpu.memory_space<vmem>>, %arg11: memref<1280xf32, #tpu.memory_space<vmem>>, %arg12: memref<1280xf32, #tpu.memory_space<vmem>>, %arg13: memref<1280xf32, #tpu.memory_space<vmem>>, %arg14: memref<2x2x16x16xf32, #tpu.memory_space<hbm>>, %arg15: memref<16x16xf32, #tpu.memory_space<vmem>>, %arg16: memref<16xf32, #tpu.memory_space<vmem>>, %arg17: memref<1600xf32, #tpu.memory_space<vmem>>, %arg18: memref<!tpu.dma_semaphore, #tpu.memory_space<semaphore_mem>>) attributes {dimension_semantics = [#tpu.dimension_semantics<core_parallel>, #tpu.dimension_semantics<subcore_parallel>], iteration_bounds = array<i64: 2, 16>, scalar_prefetch = 0 : i64, scratch_operands = 11 : i64, tpu.core_type = #tpu.core_type<sc_vector_subcore>, window_params = [{transform_indices = #map}, {transform_indices = #map}, {transform_indices = #map}, {transform_indices = #map}, {transform_indices = #map}, {transform_indices = #map}]} {
    %mul3A = arith.constant 1280 : i32
    %mul3A_0 = arith.muli %arg1, %mul3A : i32
    %broadcast_in_dim3A = arith.constant 0.000000e+00 : f32
    %broadcast_in_dim3A_1 = vector.broadcast %broadcast_in_dim3A : f32 to vector<16xf32>
    %swap3A = arith.constant 0 : index
    %swap3A_2 = tpu.vector_load %arg16[%swap3A] {strides = array<i32>} : memref<16xf32, #tpu.memory_space<vmem>>, vector<16xf32>,
    tpu.vector_store %arg16[%swap3A], %broadcast_in_dim3A_1 {strides = array<i32>} : memref<16xf32, #tpu.memory_space<vmem>>, vector<16xf32>,
    %run_scoped3A = arith.constant 0 : i32
    "tpu.region"() ({
      %run_scoped3A_55 = tpu.sem_alloc : memref<!tpu.dma_semaphore, #tpu.memory_space<semaphore_mem>>
      %dma_start3A = arith.constant 0 : i32
      %dma_start3A_56 = tpu.memref_slice %arg14[%arg0, %run_scoped3A, %arg1, %dma_start3A] : memref<2x2x16x16xf32, #tpu.memory_space<hbm>> -> memref<1x1x1x16xf32, #tpu.memory_space<hbm>>
      %dma_start3A_57 = tpu.memref_squeeze %dma_start3A_56 : memref<1x1x1x16xf32, #tpu.memory_space<hbm>> -> memref<16xf32, #tpu.memory_space<hbm>>
      %dma_start3A_58 = arith.constant 0 : i32
      %dma_start3A_59 = tpu.memref_slice %arg14[%arg0, %run_scoped3A, %arg1, %dma_start3A_58] : memref<2x2x16x16xf32, #tpu.memory_space<hbm>> -> memref<1x1x1x16xf32, #tpu.memory_space<hbm>>
      %dma_start3A_60 = tpu.memref_squeeze %dma_start3A_59 : memref<1x1x1x16xf32, #tpu.memory_space<hbm>> -> memref<16xf32, #tpu.memory_space<hbm>>
      tpu.enqueue_dma source(%arg16 : memref<16xf32, #tpu.memory_space<vmem>>) target(%dma_start3A_60 : memref<16xf32, #tpu.memory_space<hbm>>) target_semaphore(%run_scoped3A_55 : memref<!tpu.dma_semaphore, #tpu.memory_space<semaphore_mem>>)
      %dma_wait3A = arith.constant 0 : i32
      %dma_wait3A_61 = tpu.memref_slice %arg14[%arg0, %run_scoped3A, %arg1, %dma_wait3A] : memref<2x2x16x16xf32, #tpu.memory_space<hbm>> -> memref<1x1x1x16xf32, #tpu.memory_space<hbm>>
      %dma_wait3A_62 = tpu.memref_squeeze %dma_wait3A_61 : memref<1x1x1x16xf32, #tpu.memory_space<hbm>> -> memref<16xf32, #tpu.memory_space<hbm>>
      %dma_wait3A_63 = arith.constant 0 : i32
      %dma_wait3A_64 = tpu.memref_slice %arg14[%arg0, %run_scoped3A, %arg1, %dma_wait3A_63] : memref<2x2x16x16xf32, #tpu.memory_space<hbm>> -> memref<1x1x1x16xf32, #tpu.memory_space<hbm>>
      %dma_wait3A_65 = tpu.memref_squeeze %dma_wait3A_64 : memref<1x1x1x16xf32, #tpu.memory_space<hbm>> -> memref<16xf32, #tpu.memory_space<hbm>>
      tpu.wait_dma2 semaphore(%run_scoped3A_55 : memref<!tpu.dma_semaphore, #tpu.memory_space<semaphore_mem>>) src(%arg16 : memref<16xf32, #tpu.memory_space<vmem>>) dst(%dma_wait3A_65 : memref<16xf32, #tpu.memory_space<hbm>>)
      tpu.yield
    }) : () -> ()
    %run_scoped3A_3 = arith.constant 1 : i32
    "tpu.region"() ({
      %run_scoped3A_55 = tpu.sem_alloc : memref<!tpu.dma_semaphore, #tpu.memory_space<semaphore_mem>>
      %dma_start3A = arith.constant 0 : i32
      %dma_start3A_56 = tpu.memref_slice %arg14[%arg0, %run_scoped3A_3, %arg1, %dma_start3A] : memref<2x2x16x16xf32, #tpu.memory_space<hbm>> -> memref<1x1x1x16xf32, #tpu.memory_space<hbm>>
      %dma_start3A_57 = tpu.memref_squeeze %dma_start3A_56 : memref<1x1x1x16xf32, #tpu.memory_space<hbm>> -> memref<16xf32, #tpu.memory_space<hbm>>
      %dma_start3A_58 = arith.constant 0 : i32
      %dma_start3A_59 = tpu.memref_slice %arg14[%arg0, %run_scoped3A_3, %arg1, %dma_start3A_58] : memref<2x2x16x16xf32, #tpu.memory_space<hbm>> -> memref<1x1x1x16xf32, #tpu.memory_space<hbm>>
      %dma_start3A_60 = tpu.memref_squeeze %dma_start3A_59 : memref<1x1x1x16xf32, #tpu.memory_space<hbm>> -> memref<16xf32, #tpu.memory_space<hbm>>
      tpu.enqueue_dma source(%arg16 : memref<16xf32, #tpu.memory_space<vmem>>) target(%dma_start3A_60 : memref<16xf32, #tpu.memory_space<hbm>>) target_semaphore(%run_scoped3A_55 : memref<!tpu.dma_semaphore, #tpu.memory_space<semaphore_mem>>)
      %dma_wait3A = arith.constant 0 : i32
      %dma_wait3A_61 = tpu.memref_slice %arg14[%arg0, %run_scoped3A_3, %arg1, %dma_wait3A] : memref<2x2x16x16xf32, #tpu.memory_space<hbm>> -> memref<1x1x1x16xf32, #tpu.memory_space<hbm>>
      %dma_wait3A_62 = tpu.memref_squeeze %dma_wait3A_61 : memref<1x1x1x16xf32, #tpu.memory_space<hbm>> -> memref<16xf32, #tpu.memory_space<hbm>>
      %dma_wait3A_63 = arith.constant 0 : i32
      %dma_wait3A_64 = tpu.memref_slice %arg14[%arg0, %run_scoped3A_3, %arg1, %dma_wait3A_63] : memref<2x2x16x16xf32, #tpu.memory_space<hbm>> -> memref<1x1x1x16xf32, #tpu.memory_space<hbm>>
      %dma_wait3A_65 = tpu.memref_squeeze %dma_wait3A_64 : memref<1x1x1x16xf32, #tpu.memory_space<hbm>> -> memref<16xf32, #tpu.memory_space<hbm>>
      tpu.wait_dma2 semaphore(%run_scoped3A_55 : memref<!tpu.dma_semaphore, #tpu.memory_space<semaphore_mem>>) src(%arg16 : memref<16xf32, #tpu.memory_space<vmem>>) dst(%dma_wait3A_65 : memref<16xf32, #tpu.memory_space<hbm>>)
      tpu.yield
    }) : () -> ()
    "tpu.region"() ({
      %run_scoped3A_55 = tpu.sem_alloc : memref<!tpu.dma_semaphore, #tpu.memory_space<semaphore_mem>>
      %dma_start3A = tpu.memref_slice %arg2[%mul3A_0] : memref<20480xf32, #tpu.memory_space<hbm>> -> memref<1280xf32, #tpu.memory_space<hbm>>
      %dma_start3A_56 = tpu.memref_slice %arg2[%mul3A_0] : memref<20480xf32, #tpu.memory_space<hbm>> -> memref<1280xf32, #tpu.memory_space<hbm>>
      tpu.enqueue_dma source(%dma_start3A_56 : memref<1280xf32, #tpu.memory_space<hbm>>) target(%arg8 : memref<1280xf32, #tpu.memory_space<vmem>>) target_semaphore(%run_scoped3A_55 : memref<!tpu.dma_semaphore, #tpu.memory_space<semaphore_mem>>)
      %dma_wait3A = tpu.memref_slice %arg2[%mul3A_0] : memref<20480xf32, #tpu.memory_space<hbm>> -> memref<1280xf32, #tpu.memory_space<hbm>>
      %dma_wait3A_57 = tpu.memref_slice %arg2[%mul3A_0] : memref<20480xf32, #tpu.memory_space<hbm>> -> memref<1280xf32, #tpu.memory_space<hbm>>
      tpu.wait_dma2 semaphore(%run_scoped3A_55 : memref<!tpu.dma_semaphore, #tpu.memory_space<semaphore_mem>>) src(%dma_wait3A_57 : memref<1280xf32, #tpu.memory_space<hbm>>) dst(%arg8 : memref<1280xf32, #tpu.memory_space<vmem>>)
      tpu.yield
    }) : () -> ()
    "tpu.region"() ({
      %run_scoped3A_55 = tpu.sem_alloc : memref<!tpu.dma_semaphore, #tpu.memory_space<semaphore_mem>>
      %dma_start3A = tpu.memref_slice %arg3[%mul3A_0] : memref<20480xf32, #tpu.memory_space<hbm>> -> memref<1280xf32, #tpu.memory_space<hbm>>
      %dma_start3A_56 = tpu.memref_slice %arg3[%mul3A_0] : memref<20480xf32, #tpu.memory_space<hbm>> -> memref<1280xf32, #tpu.memory_space<hbm>>
      tpu.enqueue_dma source(%dma_start3A_56 : memref<1280xf32, #tpu.memory_space<hbm>>) target(%arg9 : memref<1280xf32, #tpu.memory_space<vmem>>) target_semaphore(%run_scoped3A_55 : memref<!tpu.dma_semaphore, #tpu.memory_space<semaphore_mem>>)
      %dma_wait3A = tpu.memref_slice %arg3[%mul3A_0] : memref<20480xf32, #tpu.memory_space<hbm>> -> memref<1280xf32, #tpu.memory_space<hbm>>
      %dma_wait3A_57 = tpu.memref_slice %arg3[%mul3A_0] : memref<20480xf32, #tpu.memory_space<hbm>> -> memref<1280xf32, #tpu.memory_space<hbm>>
      tpu.wait_dma2 semaphore(%run_scoped3A_55 : memref<!tpu.dma_semaphore, #tpu.memory_space<semaphore_mem>>) src(%dma_wait3A_57 : memref<1280xf32, #tpu.memory_space<hbm>>) dst(%arg9 : memref<1280xf32, #tpu.memory_space<vmem>>)
      tpu.yield
    }) : () -> ()
    "tpu.region"() ({
      %run_scoped3A_55 = tpu.sem_alloc : memref<!tpu.dma_semaphore, #tpu.memory_space<semaphore_mem>>
      %dma_start3A = tpu.memref_slice %arg4[%mul3A_0] : memref<20480xf32, #tpu.memory_space<hbm>> -> memref<1280xf32, #tpu.memory_space<hbm>>
      %dma_start3A_56 = tpu.memref_slice %arg4[%mul3A_0] : memref<20480xf32, #tpu.memory_space<hbm>> -> memref<1280xf32, #tpu.memory_space<hbm>>
      tpu.enqueue_dma source(%dma_start3A_56 : memref<1280xf32, #tpu.memory_space<hbm>>) target(%arg10 : memref<1280xf32, #tpu.memory_space<vmem>>) target_semaphore(%run_scoped3A_55 : memref<!tpu.dma_semaphore, #tpu.memory_space<semaphore_mem>>)
      %dma_wait3A = tpu.memref_slice %arg4[%mul3A_0] : memref<20480xf32, #tpu.memory_space<hbm>> -> memref<1280xf32, #tpu.memory_space<hbm>>
      %dma_wait3A_57 = tpu.memref_slice %arg4[%mul3A_0] : memref<20480xf32, #tpu.memory_space<hbm>> -> memref<1280xf32, #tpu.memory_space<hbm>>
      tpu.wait_dma2 semaphore(%run_scoped3A_55 : memref<!tpu.dma_semaphore, #tpu.memory_space<semaphore_mem>>) src(%dma_wait3A_57 : memref<1280xf32, #tpu.memory_space<hbm>>) dst(%arg10 : memref<1280xf32, #tpu.memory_space<vmem>>)
      tpu.yield
    }) : () -> ()
    "tpu.region"() ({
      %run_scoped3A_55 = tpu.sem_alloc : memref<!tpu.dma_semaphore, #tpu.memory_space<semaphore_mem>>
      %dma_start3A = tpu.memref_slice %arg5[%mul3A_0] : memref<20480xf32, #tpu.memory_space<hbm>> -> memref<1280xf32, #tpu.memory_space<hbm>>
      %dma_start3A_56 = tpu.memref_slice %arg5[%mul3A_0] : memref<20480xf32, #tpu.memory_space<hbm>> -> memref<1280xf32, #tpu.memory_space<hbm>>
      tpu.enqueue_dma source(%dma_start3A_56 : memref<1280xf32, #tpu.memory_space<hbm>>) target(%arg11 : memref<1280xf32, #tpu.memory_space<vmem>>) target_semaphore(%run_scoped3A_55 : memref<!tpu.dma_semaphore, #tpu.memory_space<semaphore_mem>>)
      %dma_wait3A = tpu.memref_slice %arg5[%mul3A_0] : memref<20480xf32, #tpu.memory_space<hbm>> -> memref<1280xf32, #tpu.memory_space<hbm>>
      %dma_wait3A_57 = tpu.memref_slice %arg5[%mul3A_0] : memref<20480xf32, #tpu.memory_space<hbm>> -> memref<1280xf32, #tpu.memory_space<hbm>>
      tpu.wait_dma2 semaphore(%run_scoped3A_55 : memref<!tpu.dma_semaphore, #tpu.memory_space<semaphore_mem>>) src(%dma_wait3A_57 : memref<1280xf32, #tpu.memory_space<hbm>>) dst(%arg11 : memref<1280xf32, #tpu.memory_space<vmem>>)
      tpu.yield
    }) : () -> ()
    "tpu.region"() ({
      %run_scoped3A_55 = tpu.sem_alloc : memref<!tpu.dma_semaphore, #tpu.memory_space<semaphore_mem>>
      %dma_start3A = tpu.memref_slice %arg6[%mul3A_0] : memref<20480xf32, #tpu.memory_space<hbm>> -> memref<1280xf32, #tpu.memory_space<hbm>>
      %dma_start3A_56 = tpu.memref_slice %arg6[%mul3A_0] : memref<20480xf32, #tpu.memory_space<hbm>> -> memref<1280xf32, #tpu.memory_space<hbm>>
      tpu.enqueue_dma source(%dma_start3A_56 : memref<1280xf32, #tpu.memory_space<hbm>>) target(%arg13 : memref<1280xf32, #tpu.memory_space<vmem>>) target_semaphore(%run_scoped3A_55 : memref<!tpu.dma_semaphore, #tpu.memory_space<semaphore_mem>>)
      %dma_wait3A = tpu.memref_slice %arg6[%mul3A_0] : memref<20480xf32, #tpu.memory_space<hbm>> -> memref<1280xf32, #tpu.memory_space<hbm>>
      %dma_wait3A_57 = tpu.memref_slice %arg6[%mul3A_0] : memref<20480xf32, #tpu.memory_space<hbm>> -> memref<1280xf32, #tpu.memory_space<hbm>>
      tpu.wait_dma2 semaphore(%run_scoped3A_55 : memref<!tpu.dma_semaphore, #tpu.memory_space<semaphore_mem>>) src(%dma_wait3A_57 : memref<1280xf32, #tpu.memory_space<hbm>>) dst(%arg13 : memref<1280xf32, #tpu.memory_space<vmem>>)
      tpu.yield
    }) : () -> ()
    %iota3A = tpu.iota {dimensions = array<i32: 0>} : vector<16xi32>
    %scan3A = arith.constant 0 : i32
    %scan3A_4 = arith.constant 0 : i32
    %scan3A_5 = arith.constant 80 : i32
    %scan3A_6 = arith.addi %scan3A_4, %scan3A_5 : i32
    %scan3A_7 = arith.constant 1 : i32
    scf.for %scan3A_55 = %scan3A_4 to %scan3A_6 step %scan3A_7  : i32 {
      %mul3A_56 = arith.constant 16 : i32
      %mul3A_57 = arith.muli %scan3A_55, %mul3A_56 : i32
      %get3A = arith.index_cast %mul3A_57 : i32 to index
      %get3A_58 = tpu.vector_load %arg10[%get3A] {strides = array<i32>} : memref<1280xf32, #tpu.memory_space<vmem>>, vector<16xf32>,
      %get3A_59 = arith.index_cast %mul3A_57 : i32 to index
      %get3A_60 = tpu.vector_load %arg8[%get3A_59] {strides = array<i32>} : memref<1280xf32, #tpu.memory_space<vmem>>, vector<16xf32>,
      %sub3A = arith.subf %get3A_58, %get3A_60 : vector<16xf32>
      %get3A_61 = arith.index_cast %mul3A_57 : i32 to index
      %get3A_62 = tpu.vector_load %arg11[%get3A_61] {strides = array<i32>} : memref<1280xf32, #tpu.memory_space<vmem>>, vector<16xf32>,
      %get3A_63 = arith.index_cast %mul3A_57 : i32 to index
      %get3A_64 = tpu.vector_load %arg9[%get3A_63] {strides = array<i32>} : memref<1280xf32, #tpu.memory_space<vmem>>, vector<16xf32>,
      %sub3A_65 = arith.subf %get3A_62, %get3A_64 : vector<16xf32>
      %mul3A_66 = arith.mulf %sub3A, %sub3A_65 : vector<16xf32>
      %swap3A_67 = arith.index_cast %mul3A_57 : i32 to index
      %swap3A_68 = tpu.vector_load %arg12[%swap3A_67] {strides = array<i32>} : memref<1280xf32, #tpu.memory_space<vmem>>, vector<16xf32>,
      tpu.vector_store %arg12[%swap3A_67], %mul3A_66 {strides = array<i32>} : memref<1280xf32, #tpu.memory_space<vmem>>, vector<16xf32>,
    }
    %scan3A_8 = arith.constant 80 : i32
    %broadcast_in_dim3A_9 = arith.constant 0 : i32
    %broadcast_in_dim3A_10 = vector.broadcast %broadcast_in_dim3A_9 : i32 to vector<16xi32>
    %broadcast_in_dim3A_11 = arith.constant 1 : i32
    %broadcast_in_dim3A_12 = vector.broadcast %broadcast_in_dim3A_11 : i32 to vector<16xi32>
    %broadcast_in_dim3A_13 = arith.constant 2 : i32
    %broadcast_in_dim3A_14 = vector.broadcast %broadcast_in_dim3A_13 : i32 to vector<16xi32>
    %broadcast_in_dim3A_15 = arith.constant 3 : i32
    %broadcast_in_dim3A_16 = vector.broadcast %broadcast_in_dim3A_15 : i32 to vector<16xi32>
    %broadcast_in_dim3A_17 = arith.constant 4 : i32
    %broadcast_in_dim3A_18 = vector.broadcast %broadcast_in_dim3A_17 : i32 to vector<16xi32>
    %broadcast_in_dim3A_19 = arith.constant 5 : i32
    %broadcast_in_dim3A_20 = vector.broadcast %broadcast_in_dim3A_19 : i32 to vector<16xi32>
    %broadcast_in_dim3A_21 = arith.constant 6 : i32
    %broadcast_in_dim3A_22 = vector.broadcast %broadcast_in_dim3A_21 : i32 to vector<16xi32>
    %broadcast_in_dim3A_23 = arith.constant 7 : i32
    %broadcast_in_dim3A_24 = vector.broadcast %broadcast_in_dim3A_23 : i32 to vector<16xi32>
    %broadcast_in_dim3A_25 = arith.constant 8 : i32
    %broadcast_in_dim3A_26 = vector.broadcast %broadcast_in_dim3A_25 : i32 to vector<16xi32>
    %broadcast_in_dim3A_27 = arith.constant 9 : i32
    %broadcast_in_dim3A_28 = vector.broadcast %broadcast_in_dim3A_27 : i32 to vector<16xi32>
    %broadcast_in_dim3A_29 = arith.constant 10 : i32
    %broadcast_in_dim3A_30 = vector.broadcast %broadcast_in_dim3A_29 : i32 to vector<16xi32>
    %broadcast_in_dim3A_31 = arith.constant 11 : i32
    %broadcast_in_dim3A_32 = vector.broadcast %broadcast_in_dim3A_31 : i32 to vector<16xi32>
    %broadcast_in_dim3A_33 = arith.constant 12 : i32
    %broadcast_in_dim3A_34 = vector.broadcast %broadcast_in_dim3A_33 : i32 to vector<16xi32>
    %broadcast_in_dim3A_35 = arith.constant 13 : i32
    %broadcast_in_dim3A_36 = vector.broadcast %broadcast_in_dim3A_35 : i32 to vector<16xi32>
    %broadcast_in_dim3A_37 = arith.constant 14 : i32
    %broadcast_in_dim3A_38 = vector.broadcast %broadcast_in_dim3A_37 : i32 to vector<16xi32>
    %broadcast_in_dim3A_39 = arith.constant 15 : i32
    %broadcast_in_dim3A_40 = vector.broadcast %broadcast_in_dim3A_39 : i32 to vector<16xi32>
    %broadcast_in_dim3A_41 = arith.constant 3.000000e+09 : f32
    %broadcast_in_dim3A_42 = vector.broadcast %broadcast_in_dim3A_41 : f32 to vector<16xf32>
    %broadcast_in_dim3A_43 = arith.constant 0.000000e+00 : f32
    %broadcast_in_dim3A_44 = vector.broadcast %broadcast_in_dim3A_43 : f32 to vector<16xf32>
    %scan3A_45 = arith.constant 0 : i32
    %scan3A_46 = arith.constant 100 : i32
    %scan3A_47 = arith.addi %scan3A_45, %scan3A_46 : i32
    %scan3A_48 = arith.constant 1 : i32
    %scan3A_49:5 = scf.for %scan3A_55 = %scan3A_45 to %scan3A_47 step %scan3A_48 iter_args(%scan3A_56 = %broadcast_in_dim3A_42, %scan3A_57 = %broadcast_in_dim3A_42, %scan3A_58 = %broadcast_in_dim3A_42, %scan3A_59 = %broadcast_in_dim3A_42, %scan3A_60 = %broadcast_in_dim3A_44) -> (vector<16xf32>, vector<16xf32>, vector<16xf32>, vector<16xf32>, vector<16xf32>)  : i32 {
      %rem3A = arith.constant 2 : i32
      %rem3A_61 = arith.remsi %scan3A_55, %rem3A : i32
      %broadcast_in_dim3A_62 = arith.constant -3.000000e+38 : f32
      %broadcast_in_dim3A_63 = vector.broadcast %broadcast_in_dim3A_62 : f32 to vector<16xf32>
      %broadcast_in_dim3A_64 = arith.constant 0 : i32
      %broadcast_in_dim3A_65 = vector.broadcast %broadcast_in_dim3A_64 : i32 to vector<16xi32>
      %scan3A_66 = arith.constant 0 : i32
      %scan3A_67 = arith.constant 20 : i32
      %scan3A_68 = arith.addi %scan3A_66, %scan3A_67 : i32
      %scan3A_69 = arith.constant 1 : i32
      %scan3A_70:2 = scf.for %scan3A_207 = %scan3A_66 to %scan3A_68 step %scan3A_69 iter_args(%scan3A_208 = %broadcast_in_dim3A_63, %scan3A_209 = %broadcast_in_dim3A_65) -> (vector<16xf32>, vector<16xi32>)  : i32 {
        %mul3A_210 = arith.constant 4 : i32
        %mul3A_211 = arith.muli %scan3A_207, %mul3A_210 : i32
        %add3A_212 = arith.constant 0 : i32
        %add3A_213 = arith.addi %mul3A_211, %add3A_212 : i32
        %mul3A_214 = arith.constant 16 : i32
        %mul3A_215 = arith.muli %add3A_213, %mul3A_214 : i32
        %get3A = arith.index_cast %mul3A_215 : i32 to index
        %get3A_216 = tpu.vector_load %arg8[%get3A] {strides = array<i32>} : memref<1280xf32, #tpu.memory_space<vmem>>, vector<16xf32>,
        %get3A_217 = arith.index_cast %mul3A_215 : i32 to index
        %get3A_218 = tpu.vector_load %arg9[%get3A_217] {strides = array<i32>} : memref<1280xf32, #tpu.memory_space<vmem>>, vector<16xf32>,
        %get3A_219 = arith.index_cast %mul3A_215 : i32 to index
        %get3A_220 = tpu.vector_load %arg10[%get3A_219] {strides = array<i32>} : memref<1280xf32, #tpu.memory_space<vmem>>, vector<16xf32>,
        %get3A_221 = arith.index_cast %mul3A_215 : i32 to index
        %get3A_222 = tpu.vector_load %arg11[%get3A_221] {strides = array<i32>} : memref<1280xf32, #tpu.memory_space<vmem>>, vector<16xf32>,
        %get3A_223 = arith.index_cast %mul3A_215 : i32 to index
        %get3A_224 = tpu.vector_load %arg12[%get3A_223] {strides = array<i32>} : memref<1280xf32, #tpu.memory_space<vmem>>, vector<16xf32>,
        %get3A_225 = arith.index_cast %mul3A_215 : i32 to index
        %get3A_226 = tpu.vector_load %arg13[%get3A_225] {strides = array<i32>} : memref<1280xf32, #tpu.memory_space<vmem>>, vector<16xf32>,
        %max3A = arith.maximumf %scan3A_56, %get3A_216 : vector<16xf32>
        %max3A_227 = arith.maximumf %scan3A_57, %get3A_218 : vector<16xf32>
        %min3A = arith.minimumf %scan3A_58, %get3A_220 : vector<16xf32>
        %min3A_228 = arith.minimumf %scan3A_59, %get3A_222 : vector<16xf32>
        %sub3A_229 = arith.subf %min3A, %max3A : vector<16xf32>
        %max3A_230 = arith.constant 0.000000e+00 : f32
        %max3A_231 = vector.broadcast %max3A_230 : f32 to vector<16xf32>
        %max3A_232 = arith.maximumf %sub3A_229, %max3A_231 : vector<16xf32>
        %sub3A_233 = arith.subf %min3A_228, %max3A_227 : vector<16xf32>
        %max3A_234 = arith.constant 0.000000e+00 : f32
        %max3A_235 = vector.broadcast %max3A_234 : f32 to vector<16xf32>
        %max3A_236 = arith.maximumf %sub3A_233, %max3A_235 : vector<16xf32>
        %mul3A_237 = arith.mulf %max3A_232, %max3A_236 : vector<16xf32>
        %add3A_238 = arith.addf %scan3A_60, %get3A_224 : vector<16xf32>
        %sub3A_239 = arith.subf %add3A_238, %mul3A_237 : vector<16xf32>
        %add3A_240 = arith.constant 9.99999993E-9 : f32
        %add3A_241 = vector.broadcast %add3A_240 : f32 to vector<16xf32>
        %add3A_242 = arith.addf %sub3A_239, %add3A_241 : vector<16xf32>
        %div3A_243 = arith.divf %mul3A_237, %add3A_242 : vector<16xf32>
        %gt3A = arith.constant 5.000000e-01 : f32
        %gt3A_244 = vector.broadcast %gt3A : f32 to vector<16xf32>
        %gt3A_245 = arith.cmpf ogt, %div3A_243, %gt3A_244 : vector<16xf32>
        %jit3A_246 = arith.constant -1.000000e+09 : f32
        %broadcast_in_dim3A_247 = vector.broadcast %jit3A_246 : f32 to vector<16xf32>
        %select_n3A_248 = arith.select %gt3A_245, %broadcast_in_dim3A_247, %get3A_226 : vector<16xi1>, vector<16xf32>
        %swap3A_249 = arith.index_cast %mul3A_215 : i32 to index
        %swap3A_250 = tpu.vector_load %arg13[%swap3A_249] {strides = array<i32>} : memref<1280xf32, #tpu.memory_space<vmem>>, vector<16xf32>,
        tpu.vector_store %arg13[%swap3A_249], %select_n3A_248 {strides = array<i32>} : memref<1280xf32, #tpu.memory_space<vmem>>, vector<16xf32>,
        %gt3A_251 = arith.cmpf ogt, %select_n3A_248, %scan3A_208 : vector<16xf32>
        %select_n3A_252 = arith.select %gt3A_251, %select_n3A_248, %scan3A_208 : vector<16xi1>, vector<16xf32>
        %mul3A_253 = arith.constant 16 : i32
        %mul3A_254 = arith.muli %add3A_213, %mul3A_253 : i32
        %add3A_255 = arith.addi %mul3A_0, %mul3A_254 : i32
        %add3A_256 = vector.broadcast %add3A_255 : i32 to vector<16xi32>
        %add3A_257 = arith.addi %iota3A, %add3A_256 : vector<16xi32>
        %select_n3A_258 = arith.select %gt3A_251, %add3A_257, %scan3A_209 : vector<16xi1>, vector<16xi32>
        %mul3A_259 = arith.constant 4 : i32
        %mul3A_260 = arith.muli %scan3A_207, %mul3A_259 : i32
        %add3A_261 = arith.constant 1 : i32
        %add3A_262 = arith.addi %mul3A_260, %add3A_261 : i32
        %mul3A_263 = arith.constant 16 : i32
        %mul3A_264 = arith.muli %add3A_262, %mul3A_263 : i32
        %get3A_265 = arith.index_cast %mul3A_264 : i32 to index
        %get3A_266 = tpu.vector_load %arg8[%get3A_265] {strides = array<i32>} : memref<1280xf32, #tpu.memory_space<vmem>>, vector<16xf32>,
        %get3A_267 = arith.index_cast %mul3A_264 : i32 to index
        %get3A_268 = tpu.vector_load %arg9[%get3A_267] {strides = array<i32>} : memref<1280xf32, #tpu.memory_space<vmem>>, vector<16xf32>,
        %get3A_269 = arith.index_cast %mul3A_264 : i32 to index
        %get3A_270 = tpu.vector_load %arg10[%get3A_269] {strides = array<i32>} : memref<1280xf32, #tpu.memory_space<vmem>>, vector<16xf32>,
        %get3A_271 = arith.index_cast %mul3A_264 : i32 to index
        %get3A_272 = tpu.vector_load %arg11[%get3A_271] {strides = array<i32>} : memref<1280xf32, #tpu.memory_space<vmem>>, vector<16xf32>,
        %get3A_273 = arith.index_cast %mul3A_264 : i32 to index
        %get3A_274 = tpu.vector_load %arg12[%get3A_273] {strides = array<i32>} : memref<1280xf32, #tpu.memory_space<vmem>>, vector<16xf32>,
        %get3A_275 = arith.index_cast %mul3A_264 : i32 to index
        %get3A_276 = tpu.vector_load %arg13[%get3A_275] {strides = array<i32>} : memref<1280xf32, #tpu.memory_space<vmem>>, vector<16xf32>,
        %max3A_277 = arith.maximumf %scan3A_56, %get3A_266 : vector<16xf32>
        %max3A_278 = arith.maximumf %scan3A_57, %get3A_268 : vector<16xf32>
        %min3A_279 = arith.minimumf %scan3A_58, %get3A_270 : vector<16xf32>
        %min3A_280 = arith.minimumf %scan3A_59, %get3A_272 : vector<16xf32>
        %sub3A_281 = arith.subf %min3A_279, %max3A_277 : vector<16xf32>
        %max3A_282 = arith.constant 0.000000e+00 : f32
        %max3A_283 = vector.broadcast %max3A_282 : f32 to vector<16xf32>
        %max3A_284 = arith.maximumf %sub3A_281, %max3A_283 : vector<16xf32>
        %sub3A_285 = arith.subf %min3A_280, %max3A_278 : vector<16xf32>
        %max3A_286 = arith.constant 0.000000e+00 : f32
        %max3A_287 = vector.broadcast %max3A_286 : f32 to vector<16xf32>
        %max3A_288 = arith.maximumf %sub3A_285, %max3A_287 : vector<16xf32>
        %mul3A_289 = arith.mulf %max3A_284, %max3A_288 : vector<16xf32>
        %add3A_290 = arith.addf %scan3A_60, %get3A_274 : vector<16xf32>
        %sub3A_291 = arith.subf %add3A_290, %mul3A_289 : vector<16xf32>
        %add3A_292 = arith.constant 9.99999993E-9 : f32
        %add3A_293 = vector.broadcast %add3A_292 : f32 to vector<16xf32>
        %add3A_294 = arith.addf %sub3A_291, %add3A_293 : vector<16xf32>
        %div3A_295 = arith.divf %mul3A_289, %add3A_294 : vector<16xf32>
        %gt3A_296 = arith.constant 5.000000e-01 : f32
        %gt3A_297 = vector.broadcast %gt3A_296 : f32 to vector<16xf32>
        %gt3A_298 = arith.cmpf ogt, %div3A_295, %gt3A_297 : vector<16xf32>
        %jit3A_299 = arith.constant -1.000000e+09 : f32
        %broadcast_in_dim3A_300 = vector.broadcast %jit3A_299 : f32 to vector<16xf32>
        %select_n3A_301 = arith.select %gt3A_298, %broadcast_in_dim3A_300, %get3A_276 : vector<16xi1>, vector<16xf32>
        %swap3A_302 = arith.index_cast %mul3A_264 : i32 to index
        %swap3A_303 = tpu.vector_load %arg13[%swap3A_302] {strides = array<i32>} : memref<1280xf32, #tpu.memory_space<vmem>>, vector<16xf32>,
        tpu.vector_store %arg13[%swap3A_302], %select_n3A_301 {strides = array<i32>} : memref<1280xf32, #tpu.memory_space<vmem>>, vector<16xf32>,
        %gt3A_304 = arith.cmpf ogt, %select_n3A_301, %select_n3A_252 : vector<16xf32>
        %select_n3A_305 = arith.select %gt3A_304, %select_n3A_301, %select_n3A_252 : vector<16xi1>, vector<16xf32>
        %mul3A_306 = arith.constant 16 : i32
        %mul3A_307 = arith.muli %add3A_262, %mul3A_306 : i32
        %add3A_308 = arith.addi %mul3A_0, %mul3A_307 : i32
        %add3A_309 = vector.broadcast %add3A_308 : i32 to vector<16xi32>
        %add3A_310 = arith.addi %iota3A, %add3A_309 : vector<16xi32>
        %select_n3A_311 = arith.select %gt3A_304, %add3A_310, %select_n3A_258 : vector<16xi1>, vector<16xi32>
        %mul3A_312 = arith.constant 4 : i32
        %mul3A_313 = arith.muli %scan3A_207, %mul3A_312 : i32
        %add3A_314 = arith.constant 2 : i32
        %add3A_315 = arith.addi %mul3A_313, %add3A_314 : i32
        %mul3A_316 = arith.constant 16 : i32
        %mul3A_317 = arith.muli %add3A_315, %mul3A_316 : i32
        %get3A_318 = arith.index_cast %mul3A_317 : i32 to index
        %get3A_319 = tpu.vector_load %arg8[%get3A_318] {strides = array<i32>} : memref<1280xf32, #tpu.memory_space<vmem>>, vector<16xf32>,
        %get3A_320 = arith.index_cast %mul3A_317 : i32 to index
        %get3A_321 = tpu.vector_load %arg9[%get3A_320] {strides = array<i32>} : memref<1280xf32, #tpu.memory_space<vmem>>, vector<16xf32>,
        %get3A_322 = arith.index_cast %mul3A_317 : i32 to index
        %get3A_323 = tpu.vector_load %arg10[%get3A_322] {strides = array<i32>} : memref<1280xf32, #tpu.memory_space<vmem>>, vector<16xf32>,
        %get3A_324 = arith.index_cast %mul3A_317 : i32 to index
        %get3A_325 = tpu.vector_load %arg11[%get3A_324] {strides = array<i32>} : memref<1280xf32, #tpu.memory_space<vmem>>, vector<16xf32>,
        %get3A_326 = arith.index_cast %mul3A_317 : i32 to index
        %get3A_327 = tpu.vector_load %arg12[%get3A_326] {strides = array<i32>} : memref<1280xf32, #tpu.memory_space<vmem>>, vector<16xf32>,
        %get3A_328 = arith.index_cast %mul3A_317 : i32 to index
        %get3A_329 = tpu.vector_load %arg13[%get3A_328] {strides = array<i32>} : memref<1280xf32, #tpu.memory_space<vmem>>, vector<16xf32>,
        %max3A_330 = arith.maximumf %scan3A_56, %get3A_319 : vector<16xf32>
        %max3A_331 = arith.maximumf %scan3A_57, %get3A_321 : vector<16xf32>
        %min3A_332 = arith.minimumf %scan3A_58, %get3A_323 : vector<16xf32>
        %min3A_333 = arith.minimumf %scan3A_59, %get3A_325 : vector<16xf32>
        %sub3A_334 = arith.subf %min3A_332, %max3A_330 : vector<16xf32>
        %max3A_335 = arith.constant 0.000000e+00 : f32
        %max3A_336 = vector.broadcast %max3A_335 : f32 to vector<16xf32>
        %max3A_337 = arith.maximumf %sub3A_334, %max3A_336 : vector<16xf32>
        %sub3A_338 = arith.subf %min3A_333, %max3A_331 : vector<16xf32>
        %max3A_339 = arith.constant 0.000000e+00 : f32
        %max3A_340 = vector.broadcast %max3A_339 : f32 to vector<16xf32>
        %max3A_341 = arith.maximumf %sub3A_338, %max3A_340 : vector<16xf32>
        %mul3A_342 = arith.mulf %max3A_337, %max3A_341 : vector<16xf32>
        %add3A_343 = arith.addf %scan3A_60, %get3A_327 : vector<16xf32>
        %sub3A_344 = arith.subf %add3A_343, %mul3A_342 : vector<16xf32>
        %add3A_345 = arith.constant 9.99999993E-9 : f32
        %add3A_346 = vector.broadcast %add3A_345 : f32 to vector<16xf32>
        %add3A_347 = arith.addf %sub3A_344, %add3A_346 : vector<16xf32>
        %div3A_348 = arith.divf %mul3A_342, %add3A_347 : vector<16xf32>
        %gt3A_349 = arith.constant 5.000000e-01 : f32
        %gt3A_350 = vector.broadcast %gt3A_349 : f32 to vector<16xf32>
        %gt3A_351 = arith.cmpf ogt, %div3A_348, %gt3A_350 : vector<16xf32>
        %jit3A_352 = arith.constant -1.000000e+09 : f32
        %broadcast_in_dim3A_353 = vector.broadcast %jit3A_352 : f32 to vector<16xf32>
        %select_n3A_354 = arith.select %gt3A_351, %broadcast_in_dim3A_353, %get3A_329 : vector<16xi1>, vector<16xf32>
        %swap3A_355 = arith.index_cast %mul3A_317 : i32 to index
        %swap3A_356 = tpu.vector_load %arg13[%swap3A_355] {strides = array<i32>} : memref<1280xf32, #tpu.memory_space<vmem>>, vector<16xf32>,
        tpu.vector_store %arg13[%swap3A_355], %select_n3A_354 {strides = array<i32>} : memref<1280xf32, #tpu.memory_space<vmem>>, vector<16xf32>,
        %gt3A_357 = arith.cmpf ogt, %select_n3A_354, %select_n3A_305 : vector<16xf32>
        %select_n3A_358 = arith.select %gt3A_357, %select_n3A_354, %select_n3A_305 : vector<16xi1>, vector<16xf32>
        %mul3A_359 = arith.constant 16 : i32
        %mul3A_360 = arith.muli %add3A_315, %mul3A_359 : i32
        %add3A_361 = arith.addi %mul3A_0, %mul3A_360 : i32
        %add3A_362 = vector.broadcast %add3A_361 : i32 to vector<16xi32>
        %add3A_363 = arith.addi %iota3A, %add3A_362 : vector<16xi32>
        %select_n3A_364 = arith.select %gt3A_357, %add3A_363, %select_n3A_311 : vector<16xi1>, vector<16xi32>
        %mul3A_365 = arith.constant 4 : i32
        %mul3A_366 = arith.muli %scan3A_207, %mul3A_365 : i32
        %add3A_367 = arith.constant 3 : i32
        %add3A_368 = arith.addi %mul3A_366, %add3A_367 : i32
        %mul3A_369 = arith.constant 16 : i32
        %mul3A_370 = arith.muli %add3A_368, %mul3A_369 : i32
        %get3A_371 = arith.index_cast %mul3A_370 : i32 to index
        %get3A_372 = tpu.vector_load %arg8[%get3A_371] {strides = array<i32>} : memref<1280xf32, #tpu.memory_space<vmem>>, vector<16xf32>,
        %get3A_373 = arith.index_cast %mul3A_370 : i32 to index
        %get3A_374 = tpu.vector_load %arg9[%get3A_373] {strides = array<i32>} : memref<1280xf32, #tpu.memory_space<vmem>>, vector<16xf32>,
        %get3A_375 = arith.index_cast %mul3A_370 : i32 to index
        %get3A_376 = tpu.vector_load %arg10[%get3A_375] {strides = array<i32>} : memref<1280xf32, #tpu.memory_space<vmem>>, vector<16xf32>,
        %get3A_377 = arith.index_cast %mul3A_370 : i32 to index
        %get3A_378 = tpu.vector_load %arg11[%get3A_377] {strides = array<i32>} : memref<1280xf32, #tpu.memory_space<vmem>>, vector<16xf32>,
        %get3A_379 = arith.index_cast %mul3A_370 : i32 to index
        %get3A_380 = tpu.vector_load %arg12[%get3A_379] {strides = array<i32>} : memref<1280xf32, #tpu.memory_space<vmem>>, vector<16xf32>,
        %get3A_381 = arith.index_cast %mul3A_370 : i32 to index
        %get3A_382 = tpu.vector_load %arg13[%get3A_381] {strides = array<i32>} : memref<1280xf32, #tpu.memory_space<vmem>>, vector<16xf32>,
        %max3A_383 = arith.maximumf %scan3A_56, %get3A_372 : vector<16xf32>
        %max3A_384 = arith.maximumf %scan3A_57, %get3A_374 : vector<16xf32>
        %min3A_385 = arith.minimumf %scan3A_58, %get3A_376 : vector<16xf32>
        %min3A_386 = arith.minimumf %scan3A_59, %get3A_378 : vector<16xf32>
        %sub3A_387 = arith.subf %min3A_385, %max3A_383 : vector<16xf32>
        %max3A_388 = arith.constant 0.000000e+00 : f32
        %max3A_389 = vector.broadcast %max3A_388 : f32 to vector<16xf32>
        %max3A_390 = arith.maximumf %sub3A_387, %max3A_389 : vector<16xf32>
        %sub3A_391 = arith.subf %min3A_386, %max3A_384 : vector<16xf32>
        %max3A_392 = arith.constant 0.000000e+00 : f32
        %max3A_393 = vector.broadcast %max3A_392 : f32 to vector<16xf32>
        %max3A_394 = arith.maximumf %sub3A_391, %max3A_393 : vector<16xf32>
        %mul3A_395 = arith.mulf %max3A_390, %max3A_394 : vector<16xf32>
        %add3A_396 = arith.addf %scan3A_60, %get3A_380 : vector<16xf32>
        %sub3A_397 = arith.subf %add3A_396, %mul3A_395 : vector<16xf32>
        %add3A_398 = arith.constant 9.99999993E-9 : f32
        %add3A_399 = vector.broadcast %add3A_398 : f32 to vector<16xf32>
        %add3A_400 = arith.addf %sub3A_397, %add3A_399 : vector<16xf32>
        %div3A_401 = arith.divf %mul3A_395, %add3A_400 : vector<16xf32>
        %gt3A_402 = arith.constant 5.000000e-01 : f32
        %gt3A_403 = vector.broadcast %gt3A_402 : f32 to vector<16xf32>
        %gt3A_404 = arith.cmpf ogt, %div3A_401, %gt3A_403 : vector<16xf32>
        %jit3A_405 = arith.constant -1.000000e+09 : f32
        %broadcast_in_dim3A_406 = vector.broadcast %jit3A_405 : f32 to vector<16xf32>
        %select_n3A_407 = arith.select %gt3A_404, %broadcast_in_dim3A_406, %get3A_382 : vector<16xi1>, vector<16xf32>
        %swap3A_408 = arith.index_cast %mul3A_370 : i32 to index
        %swap3A_409 = tpu.vector_load %arg13[%swap3A_408] {strides = array<i32>} : memref<1280xf32, #tpu.memory_space<vmem>>, vector<16xf32>,
        tpu.vector_store %arg13[%swap3A_408], %select_n3A_407 {strides = array<i32>} : memref<1280xf32, #tpu.memory_space<vmem>>, vector<16xf32>,
        %gt3A_410 = arith.cmpf ogt, %select_n3A_407, %select_n3A_358 : vector<16xf32>
        %select_n3A_411 = arith.select %gt3A_410, %select_n3A_407, %select_n3A_358 : vector<16xi1>, vector<16xf32>
        %mul3A_412 = arith.constant 16 : i32
        %mul3A_413 = arith.muli %add3A_368, %mul3A_412 : i32
        %add3A_414 = arith.addi %mul3A_0, %mul3A_413 : i32
        %add3A_415 = vector.broadcast %add3A_414 : i32 to vector<16xi32>
        %add3A_416 = arith.addi %iota3A, %add3A_415 : vector<16xi32>
        %select_n3A_417 = arith.select %gt3A_410, %add3A_416, %select_n3A_364 : vector<16xi1>, vector<16xi32>
        scf.yield %select_n3A_411, %select_n3A_417 : vector<16xf32>, vector<16xi32>
      }
      %scan3A_71 = arith.constant 20 : i32
      %reduce_max3A = arith.constant true
      %reduce_max3A_72 = vector.broadcast %reduce_max3A : i1 to vector<16xi1>
      %reduce_max3A_73 = tpu.scan <max>, %scan3A_70#0 masked %reduce_max3A_72 : vector<16xf32>, vector<16xi1> -> vector<16xf32>
      %reduce_max3A_74 = vector.extract %reduce_max3A_73[15] : f32 from vector<16xf32>
      %eq3A_75 = vector.broadcast %reduce_max3A_74 : f32 to vector<16xf32>
      %eq3A_76 = arith.cmpf oeq, %scan3A_70#0, %eq3A_75 : vector<16xf32>
      %jit3A = arith.constant 2147483647 : i32
      %broadcast_in_dim3A_77 = vector.broadcast %jit3A : i32 to vector<16xi32>
      %select_n3A = arith.select %eq3A_76, %scan3A_70#1, %broadcast_in_dim3A_77 : vector<16xi1>, vector<16xi32>
      %reduce_min3A = arith.constant true
      %reduce_min3A_78 = vector.broadcast %reduce_min3A : i1 to vector<16xi1>
      %reduce_min3A_79 = arith.constant -2147483648 : i32
      %reduce_min3A_80 = vector.broadcast %reduce_min3A_79 : i32 to vector<16xi32>
      %reduce_min3A_81 = arith.xori %select_n3A, %reduce_min3A_80 : vector<16xi32>
      %reduce_min3A_82 = tpu.scan <min>, %reduce_min3A_81 masked %reduce_min3A_78 : vector<16xi32>, vector<16xi1> -> vector<16xi32>
      %reduce_min3A_83 = arith.xori %reduce_min3A_82, %reduce_min3A_80 : vector<16xi32>
      %reduce_min3A_84 = vector.extract %reduce_min3A_83[15] : i32 from vector<16xi32>
      %broadcast_in_dim3A_85 = arith.constant 0 : i32
      %broadcast_in_dim3A_86 = vector.broadcast %broadcast_in_dim3A_85 : i32 to vector<16xi32>
      %sub3A = arith.subi %reduce_min3A_84, %mul3A_0 : i32
      %add3A = vector.broadcast %sub3A : i32 to vector<16xi32>
      %add3A_87 = arith.addi %broadcast_in_dim3A_86, %add3A : vector<16xi32>
      %add3A_88 = arith.constant 1 : i32
      %add3A_89 = arith.addi %scan3A_55, %add3A_88 : i32
      %convert_element_type3A_90 = arith.sitofp %add3A_89 : i32 to f32
      %eq3A_91 = arith.constant 0 : i32
      %eq3A_92 = vector.broadcast %eq3A_91 : i32 to vector<16xi32>
      %eq3A_93 = arith.cmpi eq, %iota3A, %eq3A_92 : vector<16xi32>
      %jit3A_94 = arith.constant 0.000000e+00 : f32
      %broadcast_in_dim3A_95 = vector.broadcast %reduce_max3A_74 : f32 to vector<16xf32>
      %broadcast_in_dim3A_96 = vector.broadcast %jit3A_94 : f32 to vector<16xf32>
      %select_n3A_97 = arith.select %eq3A_93, %broadcast_in_dim3A_95, %broadcast_in_dim3A_96 : vector<16xi1>, vector<16xf32>
      %eq3A_98 = arith.constant 1 : i32
      %eq3A_99 = vector.broadcast %eq3A_98 : i32 to vector<16xi32>
      %eq3A_100 = arith.cmpi eq, %iota3A, %eq3A_99 : vector<16xi32>
      %convert_element_type3A_101 = arith.sitofp %reduce_min3A_84 : i32 to f32
      %broadcast_in_dim3A_102 = vector.broadcast %convert_element_type3A_101 : f32 to vector<16xf32>
      %select_n3A_103 = arith.select %eq3A_100, %broadcast_in_dim3A_102, %select_n3A_97 : vector<16xi1>, vector<16xf32>
      %eq3A_104 = arith.constant 2 : i32
      %eq3A_105 = vector.broadcast %eq3A_104 : i32 to vector<16xi32>
      %eq3A_106 = arith.cmpi eq, %iota3A, %eq3A_105 : vector<16xi32>
      %gather3A = tpu.vector_load_idx %arg8[%add3A_87] : memref<1280xf32, #tpu.memory_space<vmem>>[vector<16xi32>], vector<16xf32>,
      %select_n3A_107 = arith.select %eq3A_106, %gather3A, %select_n3A_103 : vector<16xi1>, vector<16xf32>
      %eq3A_108 = arith.constant 3 : i32
      %eq3A_109 = vector.broadcast %eq3A_108 : i32 to vector<16xi32>
      %eq3A_110 = arith.cmpi eq, %iota3A, %eq3A_109 : vector<16xi32>
      %gather3A_111 = tpu.vector_load_idx %arg9[%add3A_87] : memref<1280xf32, #tpu.memory_space<vmem>>[vector<16xi32>], vector<16xf32>,
      %select_n3A_112 = arith.select %eq3A_110, %gather3A_111, %select_n3A_107 : vector<16xi1>, vector<16xf32>
      %eq3A_113 = arith.constant 4 : i32
      %eq3A_114 = vector.broadcast %eq3A_113 : i32 to vector<16xi32>
      %eq3A_115 = arith.cmpi eq, %iota3A, %eq3A_114 : vector<16xi32>
      %gather3A_116 = tpu.vector_load_idx %arg10[%add3A_87] : memref<1280xf32, #tpu.memory_space<vmem>>[vector<16xi32>], vector<16xf32>,
      %select_n3A_117 = arith.select %eq3A_115, %gather3A_116, %select_n3A_112 : vector<16xi1>, vector<16xf32>
      %eq3A_118 = arith.constant 5 : i32
      %eq3A_119 = vector.broadcast %eq3A_118 : i32 to vector<16xi32>
      %eq3A_120 = arith.cmpi eq, %iota3A, %eq3A_119 : vector<16xi32>
      %gather3A_121 = tpu.vector_load_idx %arg11[%add3A_87] : memref<1280xf32, #tpu.memory_space<vmem>>[vector<16xi32>], vector<16xf32>,
      %select_n3A_122 = arith.select %eq3A_120, %gather3A_121, %select_n3A_117 : vector<16xi1>, vector<16xf32>
      %eq3A_123 = arith.constant 6 : i32
      %eq3A_124 = vector.broadcast %eq3A_123 : i32 to vector<16xi32>
      %eq3A_125 = arith.cmpi eq, %iota3A, %eq3A_124 : vector<16xi32>
      %gather3A_126 = tpu.vector_load_idx %arg12[%add3A_87] : memref<1280xf32, #tpu.memory_space<vmem>>[vector<16xi32>], vector<16xf32>,
      %select_n3A_127 = arith.select %eq3A_125, %gather3A_126, %select_n3A_122 : vector<16xi1>, vector<16xf32>
      %eq3A_128 = arith.constant 7 : i32
      %eq3A_129 = vector.broadcast %eq3A_128 : i32 to vector<16xi32>
      %eq3A_130 = arith.cmpi eq, %iota3A, %eq3A_129 : vector<16xi32>
      %eq3A_131 = arith.constant 8 : i32
      %eq3A_132 = vector.broadcast %eq3A_131 : i32 to vector<16xi32>
      %eq3A_133 = arith.cmpi eq, %iota3A, %eq3A_132 : vector<16xi32>
      %or3A = arith.ori %eq3A_130, %eq3A_133 : vector<16xi1>
      %eq3A_134 = arith.constant 15 : i32
      %eq3A_135 = vector.broadcast %eq3A_134 : i32 to vector<16xi32>
      %eq3A_136 = arith.cmpi eq, %iota3A, %eq3A_135 : vector<16xi32>
      %or3A_137 = arith.ori %or3A, %eq3A_136 : vector<16xi1>
      %broadcast_in_dim3A_138 = vector.broadcast %convert_element_type3A_90 : f32 to vector<16xf32>
      %select_n3A_139 = arith.select %or3A_137, %broadcast_in_dim3A_138, %select_n3A_127 : vector<16xi1>, vector<16xf32>
      %swap3A_140 = arith.constant 0 : index
      %swap3A_141 = tpu.vector_load %arg16[%swap3A_140] {strides = array<i32>} : memref<16xf32, #tpu.memory_space<vmem>>, vector<16xf32>,
      tpu.vector_store %arg16[%swap3A_140], %select_n3A_139 {strides = array<i32>} : memref<16xf32, #tpu.memory_space<vmem>>, vector<16xf32>,
      %dma_start3A = arith.constant 0 : i32
      %dma_start3A_142 = tpu.memref_slice %arg14[%arg0, %rem3A_61, %arg1, %dma_start3A] : memref<2x2x16x16xf32, #tpu.memory_space<hbm>> -> memref<1x1x1x16xf32, #tpu.memory_space<hbm>>
      %dma_start3A_143 = tpu.memref_squeeze %dma_start3A_142 : memref<1x1x1x16xf32, #tpu.memory_space<hbm>> -> memref<16xf32, #tpu.memory_space<hbm>>
      %dma_start3A_144 = arith.constant 0 : i32
      %dma_start3A_145 = tpu.memref_slice %arg14[%arg0, %rem3A_61, %arg1, %dma_start3A_144] : memref<2x2x16x16xf32, #tpu.memory_space<hbm>> -> memref<1x1x1x16xf32, #tpu.memory_space<hbm>>
      %dma_start3A_146 = tpu.memref_squeeze %dma_start3A_145 : memref<1x1x1x16xf32, #tpu.memory_space<hbm>> -> memref<16xf32, #tpu.memory_space<hbm>>
      tpu.enqueue_dma source(%arg16 : memref<16xf32, #tpu.memory_space<vmem>>) target(%dma_start3A_146 : memref<16xf32, #tpu.memory_space<hbm>>) target_semaphore(%arg18 : memref<!tpu.dma_semaphore, #tpu.memory_space<semaphore_mem>>)
      %while3A = arith.constant 0 : i32
      %while3A_147 = scf.while (%while3A_207 = %while3A) : (i32) -> i32 {
        %eq3A_208 = arith.constant 0 : i32
        %eq3A_209 = arith.cmpi eq, %while3A_207, %eq3A_208 : i32
        scf.condition(%eq3A_209) %while3A_207 : i32
      } do {
      ^bb0(%while3A_207: i32):
        "tpu.region"() ({
          %run_scoped3A_232 = tpu.sem_alloc : memref<!tpu.dma_semaphore, #tpu.memory_space<semaphore_mem>>
          %dma_start3A_233 = arith.constant 0 : i32
          %dma_start3A_234 = arith.constant 0 : i32
          %dma_start3A_235 = tpu.memref_slice %arg14[%arg0, %rem3A_61, %dma_start3A_233, %dma_start3A_234] : memref<2x2x16x16xf32, #tpu.memory_space<hbm>> -> memref<1x1x16x16xf32, #tpu.memory_space<hbm>>
          %dma_start3A_236 = tpu.memref_squeeze %dma_start3A_235 : memref<1x1x16x16xf32, #tpu.memory_space<hbm>> -> memref<16x16xf32, #tpu.memory_space<hbm>>
          %dma_start3A_237 = arith.constant 0 : i32
          %dma_start3A_238 = arith.constant 0 : i32
          %dma_start3A_239 = tpu.memref_slice %arg14[%arg0, %rem3A_61, %dma_start3A_237, %dma_start3A_238] : memref<2x2x16x16xf32, #tpu.memory_space<hbm>> -> memref<1x1x16x16xf32, #tpu.memory_space<hbm>>
          %dma_start3A_240 = tpu.memref_squeeze %dma_start3A_239 : memref<1x1x16x16xf32, #tpu.memory_space<hbm>> -> memref<16x16xf32, #tpu.memory_space<hbm>>
          tpu.enqueue_dma source(%dma_start3A_240 : memref<16x16xf32, #tpu.memory_space<hbm>>) target(%arg15 : memref<16x16xf32, #tpu.memory_space<vmem>>) target_semaphore(%run_scoped3A_232 : memref<!tpu.dma_semaphore, #tpu.memory_space<semaphore_mem>>)
          %dma_wait3A_241 = arith.constant 0 : i32
          %dma_wait3A_242 = arith.constant 0 : i32
          %dma_wait3A_243 = tpu.memref_slice %arg14[%arg0, %rem3A_61, %dma_wait3A_241, %dma_wait3A_242] : memref<2x2x16x16xf32, #tpu.memory_space<hbm>> -> memref<1x1x16x16xf32, #tpu.memory_space<hbm>>
          %dma_wait3A_244 = tpu.memref_squeeze %dma_wait3A_243 : memref<1x1x16x16xf32, #tpu.memory_space<hbm>> -> memref<16x16xf32, #tpu.memory_space<hbm>>
          %dma_wait3A_245 = arith.constant 0 : i32
          %dma_wait3A_246 = arith.constant 0 : i32
          %dma_wait3A_247 = tpu.memref_slice %arg14[%arg0, %rem3A_61, %dma_wait3A_245, %dma_wait3A_246] : memref<2x2x16x16xf32, #tpu.memory_space<hbm>> -> memref<1x1x16x16xf32, #tpu.memory_space<hbm>>
          %dma_wait3A_248 = tpu.memref_squeeze %dma_wait3A_247 : memref<1x1x16x16xf32, #tpu.memory_space<hbm>> -> memref<16x16xf32, #tpu.memory_space<hbm>>
          tpu.wait_dma2 semaphore(%run_scoped3A_232 : memref<!tpu.dma_semaphore, #tpu.memory_space<semaphore_mem>>) src(%dma_wait3A_248 : memref<16x16xf32, #tpu.memory_space<hbm>>) dst(%arg15 : memref<16x16xf32, #tpu.memory_space<vmem>>)
          tpu.yield
        }) : () -> ()
        %gather3A_208 = tpu.vector_load_idx %arg15[%iota3A, %broadcast_in_dim3A_24] : memref<16x16xf32, #tpu.memory_space<vmem>>[vector<16xi32>, vector<16xi32>], vector<16xf32>,
        %gather3A_209 = tpu.vector_load_idx %arg15[%iota3A, %broadcast_in_dim3A_26] : memref<16x16xf32, #tpu.memory_space<vmem>>[vector<16xi32>, vector<16xi32>], vector<16xf32>,
        %gather3A_210 = tpu.vector_load_idx %arg15[%iota3A, %broadcast_in_dim3A_40] : memref<16x16xf32, #tpu.memory_space<vmem>>[vector<16xi32>, vector<16xi32>], vector<16xf32>,
        %eq3A_211 = vector.broadcast %convert_element_type3A_90 : f32 to vector<16xf32>
        %eq3A_212 = arith.cmpf oeq, %gather3A_208, %eq3A_211 : vector<16xf32>
        %eq3A_213 = vector.broadcast %convert_element_type3A_90 : f32 to vector<16xf32>
        %eq3A_214 = arith.cmpf oeq, %gather3A_209, %eq3A_213 : vector<16xf32>
        %and3A_215 = arith.andi %eq3A_212, %eq3A_214 : vector<16xi1>
        %eq3A_216 = vector.broadcast %convert_element_type3A_90 : f32 to vector<16xf32>
        %eq3A_217 = arith.cmpf oeq, %gather3A_210, %eq3A_216 : vector<16xf32>
        %and3A_218 = arith.andi %and3A_215, %eq3A_217 : vector<16xi1>
        %jit3A_219 = arith.constant 1 : i32
        %jit3A_220 = arith.constant 0 : i32
        %broadcast_in_dim3A_221 = vector.broadcast %jit3A_219 : i32 to vector<16xi32>
        %broadcast_in_dim3A_222 = vector.broadcast %jit3A_220 : i32 to vector<16xi32>
        %select_n3A_223 = arith.select %and3A_218, %broadcast_in_dim3A_221, %broadcast_in_dim3A_222 : vector<16xi1>, vector<16xi32>
        %reduce_min3A_224 = arith.constant true
        %reduce_min3A_225 = vector.broadcast %reduce_min3A_224 : i1 to vector<16xi1>
        %reduce_min3A_226 = arith.constant -2147483648 : i32
        %reduce_min3A_227 = vector.broadcast %reduce_min3A_226 : i32 to vector<16xi32>
        %reduce_min3A_228 = arith.xori %select_n3A_223, %reduce_min3A_227 : vector<16xi32>
        %reduce_min3A_229 = tpu.scan <min>, %reduce_min3A_228 masked %reduce_min3A_225 : vector<16xi32>, vector<16xi1> -> vector<16xi32>
        %reduce_min3A_230 = arith.xori %reduce_min3A_229, %reduce_min3A_227 : vector<16xi32>
        %reduce_min3A_231 = vector.extract %reduce_min3A_230[15] : i32 from vector<16xi32>
        scf.yield %reduce_min3A_231 : i32
      }
      %dma_wait3A = arith.constant 0 : i32
      %dma_wait3A_148 = tpu.memref_slice %arg14[%arg0, %rem3A_61, %arg1, %dma_wait3A] : memref<2x2x16x16xf32, #tpu.memory_space<hbm>> -> memref<1x1x1x16xf32, #tpu.memory_space<hbm>>
      %dma_wait3A_149 = tpu.memref_squeeze %dma_wait3A_148 : memref<1x1x1x16xf32, #tpu.memory_space<hbm>> -> memref<16xf32, #tpu.memory_space<hbm>>
      %dma_wait3A_150 = arith.constant 0 : i32
      %dma_wait3A_151 = tpu.memref_slice %arg14[%arg0, %rem3A_61, %arg1, %dma_wait3A_150] : memref<2x2x16x16xf32, #tpu.memory_space<hbm>> -> memref<1x1x1x16xf32, #tpu.memory_space<hbm>>
      %dma_wait3A_152 = tpu.memref_squeeze %dma_wait3A_151 : memref<1x1x1x16xf32, #tpu.memory_space<hbm>> -> memref<16xf32, #tpu.memory_space<hbm>>
      tpu.wait_dma2 semaphore(%arg18 : memref<!tpu.dma_semaphore, #tpu.memory_space<semaphore_mem>>) src(%arg16 : memref<16xf32, #tpu.memory_space<vmem>>) dst(%dma_wait3A_152 : memref<16xf32, #tpu.memory_space<hbm>>)
      %gather3A_153 = tpu.vector_load_idx %arg15[%iota3A, %broadcast_in_dim3A_10] : memref<16x16xf32, #tpu.memory_space<vmem>>[vector<16xi32>, vector<16xi32>], vector<16xf32>,
      %gather3A_154 = tpu.vector_load_idx %arg15[%iota3A, %broadcast_in_dim3A_12] : memref<16x16xf32, #tpu.memory_space<vmem>>[vector<16xi32>, vector<16xi32>], vector<16xf32>,
      %reduce_max3A_155 = arith.constant true
      %reduce_max3A_156 = vector.broadcast %reduce_max3A_155 : i1 to vector<16xi1>
      %reduce_max3A_157 = tpu.scan <max>, %gather3A_153 masked %reduce_max3A_156 : vector<16xf32>, vector<16xi1> -> vector<16xf32>
      %reduce_max3A_158 = vector.extract %reduce_max3A_157[15] : f32 from vector<16xf32>
      %eq3A_159 = vector.broadcast %reduce_max3A_158 : f32 to vector<16xf32>
      %eq3A_160 = arith.cmpf oeq, %gather3A_153, %eq3A_159 : vector<16xf32>
      %jit3A_161 = arith.constant 3.000000e+38 : f32
      %broadcast_in_dim3A_162 = vector.broadcast %jit3A_161 : f32 to vector<16xf32>
      %select_n3A_163 = arith.select %eq3A_160, %gather3A_154, %broadcast_in_dim3A_162 : vector<16xi1>, vector<16xf32>
      %reduce_min3A_164 = arith.constant true
      %reduce_min3A_165 = vector.broadcast %reduce_min3A_164 : i1 to vector<16xi1>
      %reduce_min3A_166 = tpu.scan <min>, %select_n3A_163 masked %reduce_min3A_165 : vector<16xf32>, vector<16xi1> -> vector<16xf32>
      %reduce_min3A_167 = vector.extract %reduce_min3A_166[15] : f32 from vector<16xf32>
      %convert_element_type3A_168 = arith.fptosi %reduce_min3A_167 : f32 to i32
      %broadcast_in_dim3A_169 = arith.constant 0 : i32
      %broadcast_in_dim3A_170 = vector.broadcast %broadcast_in_dim3A_169 : i32 to vector<16xi32>
      %jit3A_171 = arith.constant 1280 : i32
      %div3A = arith.divsi %convert_element_type3A_168, %jit3A_171 : i32
      %sign3A = arith.constant 0 : i32
      %sign3A_172 = arith.cmpi sgt, %convert_element_type3A_168, %sign3A : i32
      %sign3A_173 = arith.extui %sign3A_172 : i1 to i32
      %sign3A_174 = arith.constant 0 : i32
      %sign3A_175 = arith.cmpi slt, %convert_element_type3A_168, %sign3A_174 : i32
      %sign3A_176 = arith.extui %sign3A_175 : i1 to i32
      %sign3A_177 = arith.subi %sign3A_173, %sign3A_176 : i32
      %sign3A_178 = arith.constant 0 : i32
      %sign3A_179 = arith.cmpi sgt, %jit3A_171, %sign3A_178 : i32
      %sign3A_180 = arith.extui %sign3A_179 : i1 to i32
      %sign3A_181 = arith.constant 0 : i32
      %sign3A_182 = arith.cmpi slt, %jit3A_171, %sign3A_181 : i32
      %sign3A_183 = arith.extui %sign3A_182 : i1 to i32
      %sign3A_184 = arith.subi %sign3A_180, %sign3A_183 : i32
      %ne3A = arith.cmpi ne, %sign3A_177, %sign3A_184 : i32
      %rem3A_185 = arith.remsi %convert_element_type3A_168, %jit3A_171 : i32
      %ne3A_186 = arith.constant 0 : i32
      %ne3A_187 = arith.cmpi ne, %rem3A_185, %ne3A_186 : i32
      %and3A_188 = arith.andi %ne3A, %ne3A_187 : i1
      %sub3A_189 = arith.constant 1 : i32
      %sub3A_190 = arith.subi %div3A, %sub3A_189 : i32
      %select_n3A_191 = arith.select %and3A_188, %sub3A_190, %div3A : i32
      %add3A_192 = vector.broadcast %select_n3A_191 : i32 to vector<16xi32>
      %add3A_193 = arith.addi %broadcast_in_dim3A_170, %add3A_192 : vector<16xi32>
      %gather3A_194 = tpu.vector_load_idx %arg15[%add3A_193, %broadcast_in_dim3A_14] : memref<16x16xf32, #tpu.memory_space<vmem>>[vector<16xi32>, vector<16xi32>], vector<16xf32>,
      %gather3A_195 = tpu.vector_load_idx %arg15[%add3A_193, %broadcast_in_dim3A_16] : memref<16x16xf32, #tpu.memory_space<vmem>>[vector<16xi32>, vector<16xi32>], vector<16xf32>,
      %gather3A_196 = tpu.vector_load_idx %arg15[%add3A_193, %broadcast_in_dim3A_18] : memref<16x16xf32, #tpu.memory_space<vmem>>[vector<16xi32>, vector<16xi32>], vector<16xf32>,
      %gather3A_197 = tpu.vector_load_idx %arg15[%add3A_193, %broadcast_in_dim3A_20] : memref<16x16xf32, #tpu.memory_space<vmem>>[vector<16xi32>, vector<16xi32>], vector<16xf32>,
      %gather3A_198 = tpu.vector_load_idx %arg15[%add3A_193, %broadcast_in_dim3A_22] : memref<16x16xf32, #tpu.memory_space<vmem>>[vector<16xi32>, vector<16xi32>], vector<16xf32>,
      %eq3A_199 = arith.constant 0 : i32
      %eq3A_200 = arith.cmpi eq, %arg0, %eq3A_199 : i32
      %eq3A_201 = arith.constant 0 : i32
      %eq3A_202 = arith.cmpi eq, %arg1, %eq3A_201 : i32
      %and3A_203 = arith.andi %eq3A_200, %eq3A_202 : i1
      %convert_element_type3A_204 = arith.extui %and3A_203 : i1 to i32
      %cond3A_205 = arith.constant 0 : i32
      %cond3A_206 = arith.cmpi ne, %convert_element_type3A_204, %cond3A_205 : i32
      scf.if %cond3A_206 {
        %eq3A_207 = arith.constant 0 : i32
        %eq3A_208 = vector.broadcast %eq3A_207 : i32 to vector<16xi32>
        %eq3A_209 = arith.cmpi eq, %iota3A, %eq3A_208 : vector<16xi32>
        %jit3A_210 = arith.constant 0.000000e+00 : f32
        %broadcast_in_dim3A_211 = vector.broadcast %jit3A_210 : f32 to vector<16xf32>
        %select_n3A_212 = arith.select %eq3A_209, %gather3A_194, %broadcast_in_dim3A_211 : vector<16xi1>, vector<16xf32>
        %eq3A_213 = arith.constant 1 : i32
        %eq3A_214 = vector.broadcast %eq3A_213 : i32 to vector<16xi32>
        %eq3A_215 = arith.cmpi eq, %iota3A, %eq3A_214 : vector<16xi32>
        %select_n3A_216 = arith.select %eq3A_215, %gather3A_195, %select_n3A_212 : vector<16xi1>, vector<16xf32>
        %eq3A_217 = arith.constant 2 : i32
        %eq3A_218 = vector.broadcast %eq3A_217 : i32 to vector<16xi32>
        %eq3A_219 = arith.cmpi eq, %iota3A, %eq3A_218 : vector<16xi32>
        %select_n3A_220 = arith.select %eq3A_219, %gather3A_196, %select_n3A_216 : vector<16xi1>, vector<16xf32>
        %eq3A_221 = arith.constant 3 : i32
        %eq3A_222 = vector.broadcast %eq3A_221 : i32 to vector<16xi32>
        %eq3A_223 = arith.cmpi eq, %iota3A, %eq3A_222 : vector<16xi32>
        %select_n3A_224 = arith.select %eq3A_223, %gather3A_197, %select_n3A_220 : vector<16xi1>, vector<16xf32>
        %eq3A_225 = arith.constant 4 : i32
        %eq3A_226 = vector.broadcast %eq3A_225 : i32 to vector<16xi32>
        %eq3A_227 = arith.cmpi eq, %iota3A, %eq3A_226 : vector<16xi32>
        %gt3A = arith.constant -1.000000e+08 : f32
        %gt3A_228 = arith.cmpf ogt, %reduce_max3A_158, %gt3A : f32
        %jit3A_229 = arith.constant 0.000000e+00 : f32
        %select_n3A_230 = arith.select %gt3A_228, %reduce_max3A_158, %jit3A_229 : f32
        %broadcast_in_dim3A_231 = vector.broadcast %select_n3A_230 : f32 to vector<16xf32>
        %select_n3A_232 = arith.select %eq3A_227, %broadcast_in_dim3A_231, %select_n3A_224 : vector<16xi1>, vector<16xf32>
        %eq3A_233 = arith.constant 5 : i32
        %eq3A_234 = vector.broadcast %eq3A_233 : i32 to vector<16xi32>
        %eq3A_235 = arith.cmpi eq, %iota3A, %eq3A_234 : vector<16xi32>
        %broadcast_in_dim3A_236 = vector.broadcast %reduce_min3A_167 : f32 to vector<16xf32>
        %select_n3A_237 = arith.select %eq3A_235, %broadcast_in_dim3A_236, %select_n3A_232 : vector<16xi1>, vector<16xf32>
        %mul3A_238 = arith.constant 16 : i32
        %mul3A_239 = arith.muli %scan3A_55, %mul3A_238 : i32
        %swap3A_240 = arith.index_cast %mul3A_239 : i32 to index
        %swap3A_241 = tpu.vector_load %arg17[%swap3A_240] {strides = array<i32>} : memref<1600xf32, #tpu.memory_space<vmem>>, vector<16xf32>,
        tpu.vector_store %arg17[%swap3A_240], %select_n3A_237 {strides = array<i32>} : memref<1600xf32, #tpu.memory_space<vmem>>, vector<16xf32>,
      } else {
      }
      scf.yield %gather3A_194, %gather3A_195, %gather3A_196, %gather3A_197, %gather3A_198 : vector<16xf32>, vector<16xf32>, vector<16xf32>, vector<16xf32>, vector<16xf32>
    }
    %scan3A_50 = arith.constant 100 : i32
    %eq3A = arith.constant 0 : i32
    %eq3A_51 = arith.cmpi eq, %arg0, %eq3A : i32
    %eq3A_52 = arith.constant 0 : i32
    %eq3A_53 = arith.cmpi eq, %arg1, %eq3A_52 : i32
    %and3A = arith.andi %eq3A_51, %eq3A_53 : i1
    %convert_element_type3A = arith.extui %and3A : i1 to i32
    %cond3A = arith.constant 0 : i32
    %cond3A_54 = arith.cmpi ne, %convert_element_type3A, %cond3A : i32
    scf.if %cond3A_54 {
      "tpu.region"() ({
        %run_scoped3A_55 = tpu.sem_alloc : memref<!tpu.dma_semaphore, #tpu.memory_space<semaphore_mem>>
        tpu.enqueue_dma source(%arg17 : memref<1600xf32, #tpu.memory_space<vmem>>) target(%arg7 : memref<1600xf32, #tpu.memory_space<hbm>>) target_semaphore(%run_scoped3A_55 : memref<!tpu.dma_semaphore, #tpu.memory_space<semaphore_mem>>)
        tpu.wait_dma2 semaphore(%run_scoped3A_55 : memref<!tpu.dma_semaphore, #tpu.memory_space<semaphore_mem>>) src(%arg17 : memref<1600xf32, #tpu.memory_space<vmem>>) dst(%arg7 : memref<1600xf32, #tpu.memory_space<hbm>>)
        tpu.yield
      }) : () -> ()
    } else {
    }
    return
  }
}

</mosaic_0001>

<sc_bundles>
// kernel: kernel.3.cloned.1.call-start
scs
__scs_entry_jumppad:
0x0: {  	(pc) =	sbr.rel $0x88, $3  }
0x1: {  	(tag) =	ssettag $0x0;
	lr =	simm.s32 $0x1  }
0x2: {  	[smem:$0x3F9F] =	sst lr;
	_ =	strace $0xD0000000  }
0x3: {  	_ = 	snop  }
0x4: {  	_ = 	snop  }
0x5: {  	_ = 	snop  }
0x6: {  	_ = 	snop  }
0x7: {  	_ = 	snop  }
__scs_overlays_trampoline_lowered:
0x8: {  	[smem:$0x3FAE] =	sst s0  }
0x9: {  	[smem:$0x3FAF] =	sst s1  }
0xa: {  	[smem:$0x3FB0] =	sst s2  }
0xb: {  	[smem:$0x3FB1] =	sst s3  }
0xc: {  	[smem:$0x3FB2] =	sst s4  }
0xd: {  	[smem:$0x3FB3] =	sst s5  }
0xe: {  	[smem:$0x3FB4] =	sst s6  }
0xf: {  	[smem:$0x3FB5] =	sst s7  }
0x10: {  	[smem:$0x3FB6] =	sst s8  }
0x11: {  	[smem:$0x3FB7] =	sst s9;
	s0 =	simm.s32 @!p0 $0x0  }
0x12: {  	s1 =	sld [smem:$0x3F9D];
	s0 =	simm.s32 @p0 $0x1  }
0x13: {  	[smem:$0x3FB8] =	sst s0;
	s0 =	simm.s32 @!p1 $0x0  }
0x14: {  	s2 =	sld [smem:$0x3F9C];
	s0 =	simm.s32 @p1 $0x1  }
0x15: {  	[smem:$0x3FB9] =	sst s0;
	s0 =	simm.s32 @!p2 $0x0  }
0x16: {  	s3 =	sld [smem:$0x3FDB];
	s0 =	simm.s32 @p2 $0x1  }
0x17: {  	s4 =	simm.s32 $0x1BF5;
	[smem:$0x3FBB] =	sst s0  }
0x18: {  	s0 =	sld [smem:$0x3F9E];
	_ =	swait.ge [sflag:s4], $0x0  }
0x19: {  	s7 =	sld [smem:$0x3F9F]  }
0x1a: {  	s8 =	sadd.s32 $0xFFFFE003, lr  }
0x1b: {  	s9 =	sadd.s32 $0xFFFFFEF7, lr;
	s5 =	simm.s32 $0xFFFFFFFF;
	p2 =	slt.u32 s8, $0xFFFFF086  }
0x1c: {  	p1 =	slt.u32 s9, $0xF7A;
	s5 =	simm.s32 @!p2 $0x0  }
0x1d: {  	s5 =	simm.s32 @p1 $0x1;
	p0 =	seq.s32 s7, s2  }
0x1e: {  	s7 =	smul.u32 @!p0 $0xF7A, s2;
	p2 =	seq.s32 @!p0 s5, $0x0  }
0x1f: {  	s9 =	smul.u32 $0xF7A, s1;
	s8 =	simm.s32 @!p0 $0x1BF5;
	p2 =	por !p2, p0  }
0x20: {  	[sflag:s8] =	ssyncset.s32 @!p0 $0xFFFFF086;
	s6 =	sadd.s32 @!p0 s3, s7;
	s7 =	simm.s32 @!p0 $0x108  }
0x21: {  	s3 =	sadd.s32 s3, s9;
	s6 =	sadd.s32 @!p0 $0x88, s6;
	s7 =	simm.s32 @p2 $0x1082  }
0x22: {  	[simem:s7], [sflag:s8] =	dma.local @!p0 [hbm:s6], $0xF7A  }
0x23: {  	s9 =	sor.u32 $0xD0000000, s2;
	s6 =	simm.s32 $0x108;
	_ =	swait.ge @!p0 [sflag:s8], $0x0  }
0x24: {  	s3 =	sadd.s32 $0x88, s3;
	s6 =	simm.s32 @!p1 $0x1082;
	[sflag:s4] =	ssyncset.s32 $0xFFFFF086  }
0x25: {  	[simem:s6], [sflag:s4] =	dma.local [hbm:s3], $0xF7A  }
0x26: {  	[smem:$0x3F9F] =	sst s1;
	(tag) =	ssettag s2;
	_ =	strace s9  }
0x27: {  	s1 =	sld [smem:$0x3FAF]  }
0x28: {  	s2 =	sld [smem:$0x3FB0]  }
0x29: {  	s4 =	sld [smem:$0x3FB2]  }
0x2a: {  	p0 =	seq.s32 s5, $0x0;
	s5 =	sld [smem:$0x3FB3]  }
0x2b: {  	s6 =	sld [smem:$0x3FB4]  }
0x2c: {  	s7 =	sld [smem:$0x3FB5]  }
0x2d: {  	s3 =	simm.s32 $0x108;
	s8 =	sld [smem:$0x3FB6]  }
0x2e: {  	s3 =	simm.s32 @!p0 $0x1082;
	s9 =	sld [smem:$0x3FB7]  }
0x2f: {  	lr =	sadd.s32 s0, s3;
	s0 =	sld [smem:$0x3FAE]  }
0x30: {  	s3 =	sld [smem:$0x3FB1]  }
0x31: {  	[smem:$0x3FBA] =	sst s10  }
0x32: {  	s10 =	sld [smem:$0x3FB8];
	_ =	sdelay $0x3  }
0x33: {  	p0 =	seq.s32 s10, $0x1;
	s10 =	sld [smem:$0x3FBA];
	_ =	sdelay $0x3  }
0x34: {  	[smem:$0x3FBA] =	sst s10  }
0x35: {  	s10 =	sld [smem:$0x3FB9];
	_ =	sdelay $0x3  }
0x36: {  	p1 =	seq.s32 s10, $0x1;
	s10 =	sld [smem:$0x3FBA];
	_ =	sdelay $0x3  }
0x37: {  	[smem:$0x3FBA] =	sst s10  }
0x38: {  	s10 =	sld [smem:$0x3FBB]  }
0x39: {  	_ = 	snop;
	(pc) =	sbr.ind lr, $3  }
0x3a: {  	_ = 	snop  }
0x3b: {  	_ = 	snop  }
0x3c: {  	p2 =	seq.s32 s10, $0x1;
	s10 =	sld [smem:$0x3FBA]  }
0x3d: {  	_ =	shalt  }
0x3e: {  	_ =	shalt  }
0x3f: {  	_ =	shalt  }
0x40: {  	_ =	shalt  }
0x41: {  	_ =	shalt  }
0x42: {  	_ =	shalt  }
0x43: {  	_ =	shalt  }
0x44: {  	_ =	shalt  }
0x45: {  	_ =	shalt  }
0x46: {  	_ =	shalt  }
0x47: {  	_ =	shalt  }
0x48: {  	_ =	shalt  }
0x49: {  	_ =	shalt  }
0x4a: {  	_ =	shalt  }
0x4b: {  	_ =	shalt  }
0x4c: {  	_ =	shalt  }
0x4d: {  	_ =	shalt  }
0x4e: {  	_ =	shalt  }
0x4f: {  	_ =	shalt  }
0x50: {  	_ =	shalt  }
0x51: {  	_ =	shalt  }
0x52: {  	_ =	shalt  }
0x53: {  	_ =	shalt  }
0x54: {  	_ =	shalt  }
0x55: {  	_ =	shalt  }
0x56: {  	_ =	shalt  }
0x57: {  	_ =	shalt  }
0x58: {  	_ =	shalt  }
0x59: {  	_ =	shalt  }
0x5a: {  	_ =	shalt  }
0x5b: {  	_ =	shalt  }
0x5c: {  	_ =	shalt  }
0x5d: {  	_ =	shalt  }
0x5e: {  	_ =	shalt  }
0x5f: {  	_ =	shalt  }
0x60: {  	_ =	shalt  }
0x61: {  	_ =	shalt  }
0x62: {  	_ =	shalt  }
0x63: {  	_ =	shalt  }
0x64: {  	_ =	shalt  }
0x65: {  	_ =	shalt  }
0x66: {  	_ =	shalt  }
0x67: {  	_ =	shalt  }
0x68: {  	_ =	shalt  }
0x69: {  	_ =	shalt  }
0x6a: {  	_ =	shalt  }
0x6b: {  	_ =	shalt  }
0x6c: {  	_ =	shalt  }
0x6d: {  	_ =	shalt  }
0x6e: {  	_ =	shalt  }
0x6f: {  	_ =	shalt  }
0x70: {  	_ =	shalt  }
0x71: {  	_ =	shalt  }
0x72: {  	_ =	shalt  }
0x73: {  	_ =	shalt  }
0x74: {  	_ =	shalt  }
0x75: {  	_ =	shalt  }
0x76: {  	_ =	shalt  }
0x77: {  	_ =	shalt  }
0x78: {  	_ =	shalt  }
0x79: {  	_ =	shalt  }
0x7a: {  	_ =	shalt  }
0x7b: {  	_ =	shalt  }
0x7c: {  	_ =	shalt  }
0x7d: {  	_ =	shalt  }
0x7e: {  	_ =	shalt  }
0x7f: {  	_ =	shalt  }
0x80: {  	_ =	shalt  }
0x81: {  	_ =	shalt  }
0x82: {  	_ =	shalt  }
0x83: {  	_ =	shalt  }
0x84: {  	_ =	shalt  }
0x85: {  	_ =	shalt  }
0x86: {  	_ =	shalt  }
0x87: {  	_ =	shalt  }
.Lfunc_end0:
.L_simem_size_0:
called_computation_lowered:
.L_overlay_start_0:
0x88: {  	s2 =	sld [smem:$0x3FD9]  }
0x89: {  	s3 =	sld [smem:$0x3FFE];
	_ =	sdelay $0x1  }
0x8a: {  	s1 =	srdreg.scid  }
0x8b: {  	s0 =	sand.u32 $0x1, s1  }
0x8c: {  	s17 =	sshll.u32 s0, $0xA;
	s2 =	sadd.s32 s3, s2  }
0x8d: {  	s3 =	sadd.s32 s2, s17  }
0x8e: {  	[smem:$0x3FC6] =	sst s3  }
0x8f: {  	_ = 	snop  }
0x90: {  	(tm) =	ssettm $0x1  }
0x91: {  	s18 =	sld [smem:$0x3FFB];
	_ =	sdelay $0x3  }
0x92: {  	_ =	strace s18  }
0x93: {  	s3 =	sld [smem:$0x3FFC];
	_ =	sdelay $0x3  }
0x94: {  	_ =	strace s3  }
0x95: {  	s3 =	sld [smem:$0x3FFD];
	_ =	sdelay $0x3  }
0x96: {  	_ =	strace s3  }
0x97: {  	_ =	strace $0x8FFFFFFF  }
0x98: {  	s19 =	sld [smem:$0x3FDB];
	_ =	sdelay $0x1  }
0x99: {  	s4 =	simm.s32 $_scs_section_size  }
0x9a: {  	s5 =	simm.s32 $_size__tile_overlayer_lowered;
	s6 =	simm.s32 $_tile_overlayer_lowered  }
0x9b: {  	s22 =	simm.s32 $0x1BFF;
	s21 =	sshll.u32 s6, $0x1;
	s3 =	sadd.s32 s4, s19  }
0x9c: {  	s7 =	simm.s32 $0x0;
	s20 =	sshll.u32 s5, $0x1;
	s5 =	sadd.s32 s21, s3  }
0x9d: {  	[timem:s7], [sflag:s22] =	dma.local [hbm:s5], s20  }
0x9e: {  	_ =	swait.ge [sflag:s22], s20  }
0x9f: {  	s4 =	ssub.s32 $0x0, s20;
	[sflag:s22] =	ssyncset.done $0x0  }
0xa0: {  	[sflag:s22] =	ssyncadd.s32 s4;
	_ =	sdelay $0x1  }
0xa1: {  	s23 =	simm.s32 $0x1B8B  }
0xa2: {  	_ =	swait.ge [sflag:s23], $0x1  }
0xa3: {  	[sflag:s23] =	ssyncset.done $0x0  }
0xa4: {  	s25 =	simm.s32 $0x1B8E;
	s24 =	sld [smem:$0x3FFE];
	[sflag:s23] =	ssyncadd.s32 $0xFFFFFFFF  }
0xa5: {  	s26 =	simm.s32 $execute0_lowered;
	[smem:$0x3FD2] =	sst s25  }
0xa6: {  	s5 =	sshll.u32 s26, $0x1;
	_ =	strace $0x80000046;
	[dreg:$0x1] =	wrdreg $0xFFFFFFFF  }
0xa7: {  	s28 =	simm.s32 $_size_execute0_lowered;
	s3 =	sadd.s32 s3, s5;
	[dreg:$0x0] =	wrdreg $0x0  }
0xa8: {  	s5 =	sshll.u32 s28, $0x1;
	[dreg:$0x2] =	wrdreg s3  }
0xa9: {  	[dreg:$0x3] =	wrdreg s5  }
0xaa: {  	[dreg:$0x4] =	wrdreg $0xC0  }
0xab: {  	_ =	task [dreg:s7], $0x5FFFF  }
0xac: {  	[dreg:$0x1] =	wrdreg $0xFFFFFFFF  }
0xad: {  	[dreg:$0x0] =	wrdreg $0x60  }
0xae: {  	s2 =	sadd.s32 $0x800, s2;
	[dreg:$0x2] =	wrdreg s24  }
0xaf: {  	[dreg:$0x3] =	wrdreg s2  }
0xb0: {  	[dreg:$0x4] =	wrdreg $0x9  }
0xb1: {  	_ =	task.clear_ibuf [dreg:s7], $0x5FFFF;
	_ =	strace $0x90000046  }
0xb2: {  	s29 =	simm.s32 $0x9;
	_ =	strace $0x80000048  }
0xb3: {  	_ =	swait.ge [sflag:s29], $0x1  }
0xb4: {  	[sflag:s29] =	ssyncadd.s32 $0xFFFFFFFF  }
0xb5: {  	_ =	strace $0x90000048  }
0xb6: {  	_ =	sfence  }
0xb7: {  	s30 =	sld [smem:$0x0];
	_ =	sdelay $0x2  }
0xb8: {  	s31 =	sshll.u32 s1, $0xD;
	s1 =	sshrl.u32 s1, $0x2  }
0xb9: {  	s3 =	sand.u32 $0x4000, s31;
	s1 =	sadd.s32 s1, s30  }
0xba: {  	s0 =	sor.u32 s3, s0;
	s1 =	sshll.u32 s1, $0x11  }
0xbb: {  	s0 =	sor.u32 s1, s0  }
0xbc: {  	s0 =	sadd.s32 $0x8F2B, s0  }
0xbd: {  	[sflag:s0] =	ssyncadd.remote.s32 $0x1  }
0xbe: {  	_ =	sfence.sel $0xFFFF  }
0xbf: {  	[dreg:$0x0] =	wrdreg $0xFFFFFFFF;
	(pc) =	sbr.abs _section_cstart, $3  }
0xc0: {  	[dreg:$0x1] =	wrdreg $0xFFFFFFFF  }
0xc1: {  	_ =	task.clear_ibuf [dreg:s7], $0x2FFFF;
	_ =	strace $0x9FFFFFFF  }
0xc2: {  	(tm) =	ssettm $0x7FFFFFFF  }
0xc3: {  	_ =	shalt  }
tec
execute0_lowered:
.L_overlay_start_1:
0x0: {  	(tag) =	ssettag $0x1  }
0x1: {  	s0 =	rddreg [dreg:$0x0]  }
0x2: {  	s2 =	rddreg [dreg:$0x1];
	s4 =	srdreg.scid  }
0x3: {  	s3 =	simm.s32 $0x0;
	s1 =	stileid.u32;
	s17 =	simm.s32 $0x2  }
0x4: {  	s18 =	simm.s32 $0x500;
	s19 =	simm.s32 $0xA00;
	s20 =	simm.s32 $0xF00  }
0x5: {  	s21 =	simm.s32 $0x1900;
	s22 =	simm.s32 $0x1400;
	s23 =	simm.s32 $0x1E00  }
0x6: {  	s24 =	simm.s32 $0x1;
	s26 =	simm.s32 $0x0;
	s15 =	sand.u32 $0x1, s4  }
0x7: {  	v0 =	vimm.f32 $0.0e+00;
	v1 =	vlaneseq.u32;
	[smem:$0x7FF] =	sst s3;
	s5 =	sshll.u32 s1, $0x7;
	s6 =	smul.u32 $0x500, s1  }
0x8: {  	vm0 =	vmmov $0x1;
	vm6 =	vcmask $0x3B24;
	vm1 =	vcmask $0x700;
	s7 =	sadd.s32 $0x3200, s0;
	s4 =	sshll.u32 s15, $0xC;
	_ =	strace $0x80000047  }
0x9: {  	vm2 =	vcmask $0xB00;
	vm3 =	vcmask $0xF00;
	vm4 =	vcmask $0x1300;
	s9 =	ssub.s32 $0x2, s15;
	s31 =	sor.u32 s1, s15;
	s8 =	sor.u32 s5, s4  }
.Ltmp0:
0xa: {  	vm5 =	vcmask $0x1700;
	vm7 =	vcmask $0x1B00;
	v6 =	vimm.s32 $0x0;
	s10 =	sshrl.u32 s9, $0x1;
	s11 =	sshrl.u32 s6, $0x3;
	(pc) =	sbr.rel .LBB2_1-.Ltmp0, $4  }
0xb: {  	vm10 =	vcmask $0x1714;
	vm1 =	vmor vm1, vm6;
	v2 =	vmul.u32 $0x80, v1;
	s8 =	sshrl.u32 s8, $0x3;
	s16 =	ssub.s32 s9, s10;
	s10 =	sadd.s32 s0, s11  }
0xc: {  	vm2 =	vmor vm2, vm6;
	vm3 =	vmor vm3, vm6;
	vm4 =	vmor vm4, vm6;
	p0 =	sne.s32 s31, $0x0;
	s8 =	sadd.s32 s8, s2;
	s11 =	sadd.s32 $0xA00, s10  }
0xd: {  	vm5 =	vmor vm5, vm6;
	vm6 =	vmor vm7, vm6;
	v3 =	vor.u32 $0x7, v2;
	s12 =	sadd.s32 $0x1400, s10;
	s13 =	sadd.s32 $0x1E00, s10;
	s14 =	sadd.s32 $0x2800, s10  }
0xe: {  	v4 =	vor.u32 $0x8, v2;
	v5 =	vor.u32 $0xF, v2;
	v7 =	vor.u32 $0x1, v2;
	s15 =	smax.u32 s16, $0x1;
	s16 =	simm.s32 $0x2600;
	s9 =	sadd.s32 $0x100, s8  }
.LBB2_10:
0xf: {  	s0 =	simm.s32 $0x2680  }
0x10: {  	[hbm4b:s7+s3] =	stream.linear.scatter [tilespmem:s0], [sflag:$0x2], $0x680, $0x38;
	[tilespmem:$0x2D00] =	vst v63  }
0x11: {  	_ =	swait.ge [sflag:s17], $0x680  }
0x12: {  	[sflag:s17] =	ssyncset.done $0x0  }
0x13: {  	[sflag:s17] =	ssyncadd.s32 $0xFFFFF980  }
.LBB2_11:
0x14: {  	s26 =	sadd.s32 $0x1, s26  }
0x15: {  	p1 =	sne.s32 s26, s15  }
.Ltmp1:
0x16: {  	_ = 	snop;
	(pc) =	sbr.rel @!p1 .LBB2_12-.Ltmp1, $1  }
0x17: {  	_ =	sdelay $0x3  }
.LBB2_1:
0x18: {  	[tilespmem:$0x2600] =	vst v0  }
0x19: {  	[hbm4b:s8+s3] =	stream.linear.scatter [tilespmem:s16], [sflag:$0x2], $0x80, $0x38;
	[tilespmem:$0x2D00] =	vst v63  }
0x1a: {  	_ =	swait.ge [sflag:s17], $0x80  }
0x1b: {  	[sflag:s17] =	ssyncset.done $0x0  }
0x1c: {  	[sflag:s17] =	ssyncadd.s32 $0xFFFFFF80  }
0x1d: {  	[hbm4b:s9+s3] =	stream.linear.scatter [tilespmem:s16], [sflag:$0x2], $0x80, $0x38;
	[tilespmem:$0x2D00] =	vst v63  }
0x1e: {  	_ =	swait.ge [sflag:s17], $0x80  }
0x1f: {  	[sflag:s17] =	ssyncset.done $0x0  }
0x20: {  	[sflag:s17] =	ssyncadd.s32 $0xFFFFFF80  }
0x21: {  	[tilespmem:s3], [sflag:$0x2] =	stream.linear.gather [hbm4b:s10+s3], $0x500, $0x38;
	[tilespmem:$0x2D00] =	vst v63  }
0x22: {  	_ =	swait.ge [sflag:s17], $0x500  }
0x23: {  	[sflag:s17] =	ssyncset.done $0x0  }
0x24: {  	[sflag:s17] =	ssyncadd.s32 $0xFFFFFB00  }
0x25: {  	[tilespmem:s18], [sflag:$0x2] =	stream.linear.gather [hbm4b:s11+s3], $0x500, $0x38;
	[tilespmem:$0x2D00] =	vst v63  }
0x26: {  	_ =	swait.ge [sflag:s17], $0x500  }
0x27: {  	[sflag:s17] =	ssyncset.done $0x0  }
0x28: {  	[sflag:s17] =	ssyncadd.s32 $0xFFFFFB00  }
0x29: {  	[tilespmem:s19], [sflag:$0x2] =	stream.linear.gather [hbm4b:s12+s3], $0x500, $0x38;
	[tilespmem:$0x2D00] =	vst v63  }
0x2a: {  	_ =	swait.ge [sflag:s17], $0x500  }
0x2b: {  	[sflag:s17] =	ssyncset.done $0x0  }
0x2c: {  	[sflag:s17] =	ssyncadd.s32 $0xFFFFFB00  }
0x2d: {  	[tilespmem:s20], [sflag:$0x2] =	stream.linear.gather [hbm4b:s13+s3], $0x500, $0x38;
	[tilespmem:$0x2D00] =	vst v63  }
0x2e: {  	_ =	swait.ge [sflag:s17], $0x500  }
0x2f: {  	[sflag:s17] =	ssyncset.done $0x0  }
0x30: {  	[sflag:s17] =	ssyncadd.s32 $0xFFFFFB00  }
0x31: {  	[tilespmem:s21], [sflag:$0x2] =	stream.linear.gather [hbm4b:s14+s3], $0x500, $0x38;
	[tilespmem:$0x2D00] =	vst v63  }
0x32: {  	_ =	swait.ge [sflag:s17], $0x500  }
0x33: {  	[sflag:s17] =	ssyncset.done $0x0  }
0x34: {  	s0 =	simm.s32 $0x0;
	[sflag:s17] =	ssyncadd.s32 $0xFFFFFB00  }
0x35: {  	v9 =	vld [tilespmem:s0+$0xA00]  }
0x36: {  	v11 =	vld [tilespmem:s0+$0x0]  }
0x37: {  	v12 =	vld [tilespmem:s0+$0xF00]  }
0x38: {  	v13 =	vld [tilespmem:s0+$0x500];
	_ =	sdelay $0x1  }
0x39: {  	s28 =	simm.s32 $0x10  }
0x3a: {  	v8 =	vld [tilespmem:s28+$0xA00]  }
0x3b: {  	v10 =	vld [tilespmem:s28+$0x0]  }
0x3c: {  	v14 =	vsub.f32 v9, v11;
	v12 =	vsub.f32 v12, v13;
	v9 =	vld [tilespmem:s28+$0xF00]  }
0x3d: {  	v11 =	vld [tilespmem:s28+$0x500]  }
0x3e: {  	s29 =	simm.s32 $0x80;
	v12 =	vmul.f32 v12, v14  }
.LBB2_2:
0x3f: {  	s30 =	sshra.s32 s29, $0x2;
	v13 =	vmov v8;
	p1 =	sne.s32 s29, $0x13C0  }
.Ltmp2:
0x40: {  	v8 =	vld [tilespmem:s30+$0xA00];
	[tilespmem:s0+$0x1400] =	vst v12;
	v12 =	vmov v10;
	s0 =	smov.u32 s28;
	s28 =	smov.u32 s30;
	(pc) =	sbr.rel @p1 .LBB2_2-.Ltmp2, $4  }
0x41: {  	v10 =	vld [tilespmem:s28+$0x0]  }
0x42: {  	s29 =	sadd.s32 $0x40, s29;
	v12 =	vsub.f32 v13, v12;
	v13 =	vsub.f32 v9, v11;
	v9 =	vld [tilespmem:s28+$0xF00]  }
0x43: {  	v11 =	vld [tilespmem:s28+$0x500]  }
0x44: {  	v12 =	vmul.f32 v13, v12  }
0x45: {  	_ =	sdelay $0x2  }
.Ltmp3:
0x46: {  	v8 =	vsub.f32 v8, v10;
	v9 =	vsub.f32 v9, v11;
	(pc) =	sbr.rel .LBB2_4-.Ltmp3, $4  }
0x47: {  	_ = 	snop  }
0x48: {  	v10 =	vmul.f32 v9, v8  }
0x49: {  	[tilespmem:s0+$0x1400] =	vst v12;
	v12 =	vimm.f32 $3.000000000e+09;
	v11 =	vimm.f32 $3.000000000e+09  }
0x4a: {  	v9 =	vimm.f32 $3.000000000e+09;
	v8 =	vimm.f32 $0.0e+00;
	[tilespmem:s28+$0x1400] =	vst v10;
	s28 =	simm.s32 $0x0;
	v10 =	vimm.f32 $3.000000000e+09  }
.LBB2_9:
0x4b: {  	(v2sf) =	vpush v14, $0xF;
	_ =	sdelay $0xe  }
0x4c: {  	s1 =	spop (v2sf)  }
0x4d: {  	p1 =	sgt.f32 s1, $-1.000000000e+08  }
0x4e: {  	v14 =	vnsel vm0, $0x0, v12;
	vm7 =	vcmask $0x318  }
0x4f: {  	v14 =	vsel vm7, v14, v11;
	vm7 =	vcmask $0x718;
	s1 =	simm.s32 @!p1 $0x0;
	p1 =	seq.s32 s0, $0x64  }
.Ltmp4:
0x50: {  	v14 =	vsel vm7, v14, v10;
	vm7 =	vcmask $0xB18;
	(pc) =	sbr.rel @p1 .LBB2_10-.Ltmp4, $4  }
0x51: {  	v13 =	vbroadcast v13, $0xF;
	v14 =	vsel vm7, v14, v9;
	vm7 =	veq.s32 v1, $0x4  }
0x52: {  	s31 =	sshll.u32 s28, $0x4;
	v14 =	vsel vm7, s1, v14  }
0x53: {  	s1 =	sand.u32 $0x3FFFFFF0, s31;
	v13 =	vsel vm10, v13, v14  }
0x54: {  	s28 =	smov.u32 s0;
	[tilespmem:s1+$0x2680] =	vst v13  }
.LBB2_4:
0x55: {  	s30 =	simm.s32 $0x0  }
0x56: {  	v14 =	vld [tilespmem:s30+$0x1420]  }
0x57: {  	v15 =	vld [tilespmem:s30+$0x1410]  }
0x58: {  	v16 =	vld [tilespmem:s30+$0x30]  }
0x59: {  	v17 =	vld [tilespmem:s30+$0x530]  }
0x5a: {  	v18 =	vld [tilespmem:s30+$0xA30]  }
0x5b: {  	v19 =	vld [tilespmem:s30+$0xF30]  }
0x5c: {  	v20 =	vld [tilespmem:s30+$0x1400]  }
0x5d: {  	v21 =	vld [tilespmem:s30+$0x20]  }
0x5e: {  	v22 =	vld [tilespmem:s30+$0x520]  }
0x5f: {  	v23 =	vld [tilespmem:s30+$0xA20]  }
0x60: {  	v24 =	vld [tilespmem:s30+$0xF20]  }
0x61: {  	v25 =	vld [tilespmem:s30+$0x10]  }
0x62: {  	v26 =	vld [tilespmem:s30+$0x510]  }
0x63: {  	v27 =	vld [tilespmem:s30+$0xA10]  }
0x64: {  	v28 =	vld [tilespmem:s30+$0x0]  }
0x65: {  	v29 =	vld [tilespmem:s30+$0x500]  }
0x66: {  	v30 =	vld [tilespmem:s30+$0xA00]  }
0x67: {  	v13 =	vimm.f32 $-3.000000010e+38;
	v15 =	vadd.f32 v15, v8;
	v31 =	vadd.f32 v14, v8;
	v14 =	vld [tilespmem:s30+$0xF00]  }
0x68: {  	v32 =	vld [tilespmem:s30+$0xF10];
	v16 =	vmax.f32 v12, v16;
	v17 =	vmax.f32 v11, v17;
	v18 =	vmin.f32 v10, v18  }
0x69: {  	s29 =	simm.s32 $0x40;
	v33 =	vld [tilespmem:s30+$0x1430];
	v19 =	vmin.f32 v9, v19;
	v20 =	vadd.f32 v20, v8;
	v21 =	vmax.f32 v12, v21  }
0x6a: {  	v34 =	vld [tilespmem:s29+$0x1420];
	v22 =	vmax.f32 v11, v22;
	v23 =	vmin.f32 v10, v23;
	v24 =	vmin.f32 v9, v24  }
0x6b: {  	v35 =	vld [tilespmem:s29+$0x1410];
	v25 =	vmax.f32 v12, v25;
	v26 =	vmax.f32 v11, v26;
	v28 =	vmax.f32 v12, v28  }
0x6c: {  	v36 =	vld [tilespmem:s29+$0x30];
	v29 =	vmax.f32 v11, v29;
	v30 =	vmin.f32 v10, v30;
	v14 =	vmin.f32 v9, v14  }
0x6d: {  	v59 =	vld [tilespmem:s29+$0x20];
	v27 =	vmin.f32 v10, v27;
	v28 =	vsub.f32 v30, v28;
	v14 =	vsub.f32 v14, v29  }
0x6e: {  	v37 =	vld [tilespmem:s29+$0xA20];
	v16 =	vsub.f32 v18, v16;
	v18 =	vsub.f32 v27, v25;
	v29 =	vmin.f32 v9, v32  }
0x6f: {  	v38 =	vld [tilespmem:s29+$0xF20];
	v28 =	vmax.f32 v28, $0.0e+00;
	v26 =	vsub.f32 v29, v26;
	v14 =	vmax.f32 v14, $0.0e+00  }
0x70: {  	v39 =	vld [tilespmem:s29+$0x10];
	v21 =	vsub.f32 v23, v21;
	v17 =	vsub.f32 v19, v17;
	v28 =	vmul.f32 v14, v28  }
0x71: {  	v30 =	vld [tilespmem:s29+$0x530];
	v19 =	vsub.f32 v24, v22;
	v14 =	vmax.f32 v18, $0.0e+00;
	v18 =	vmax.f32 v26, $0.0e+00  }
0x72: {  	v25 =	vld [tilespmem:s29+$0xA30];
	v16 =	vmax.f32 v16, $0.0e+00;
	v23 =	vmul.f32 v18, v14;
	v20 =	vsub.f32 v20, v28  }
0x73: {  	v40 =	vld [tilespmem:s29+$0xF10];
	v17 =	vmax.f32 v17, $0.0e+00;
	v14 =	vmax.f32 v21, $0.0e+00;
	v18 =	vmax.f32 v19, $0.0e+00  }
0x74: {  	v27 =	vld [tilespmem:s29+$0xF30];
	v22 =	vmul.f32 v18, v14;
	v15 =	vsub.f32 v15, v23;
	v19 =	vadd.f32 $9.999999930e-09, v20  }
0x75: {  	v60 =	vld [tilespmem:s29+$0x510];
	v44 =	vmax.f32 v12, v36;
	v18 =	vadd.f32 v33, v8;
	v20 =	vmul.f32 v17, v16  }
0x76: {  	v47 =	vld [tilespmem:s29+$0xF00];
	v24 =	vsub.f32 v31, v22;
	v21 =	vadd.f32 $9.999999930e-09, v15;
	(erf) = vrcp.f32 v19  }
0x77: {  	v48 =	vmin.f32 v10, v37;
	v45 =	vmax.f32 v11, v30;
	v30 =	vmin.f32 v10, v25;
	v26 =	vld [tilespmem:s29+$0x520]  }
0x78: {  	v42 =	vld [tilespmem:s29+$0x0];
	v24 =	vadd.f32 $9.999999930e-09, v24;
	v41 =	vsub.f32 v18, v20;
	(erf) = vrcp.f32 v21  }
0x79: {  	v62 =	vld [tilespmem:s29+$0xA00];
	v36 =	vmin.f32 v9, v40;
	v46 =	vmin.f32 v9, v27;
	v27 =	vsub.f32 v30, v44  }
0x7a: {  	s0 =	sadd.s32 $0x20, s6;
	v29 =	vld [tilespmem:s29+$0x1400];
	v14 =	vimm.s32 $0x0;
	v61 =	vadd.f32 $9.999999930e-09, v41;
	(erf) = vrcp.f32 v24  }
0x7b: {  	s31 =	sadd.s32 $0x30, s6;
	v33 =	vmin.f32 v9, v47;
	v31 =	vld [tilespmem:s29+$0xA10];
	v17 =	vor.u32 s6, v1;
	v16 =	vor.u32 s0, v1  }
0x7c: {  	v43 =	vld [tilespmem:s29+$0x500];
	v15 =	vor.u32 s31, v1;
	v25 =	vmax.f32 v11, v26;
	(erf) = vrcp.f32 v61  }
0x7d: {  	s25 =	sadd.s32 $0x10, s6;
	v26 =	vmin.f32 v9, v38;
	v38 =	vmax.f32 v12, v42;
	v19 =	vadd.f32 v34, v8  }
0x7e: {  	v32 =	vld [tilespmem:s30+$0x1900];
	v18 =	vor.u32 s25, v1;
	v34 =	vmax.f32 v11, v60;
	v21 =	vadd.f32 v35, v8  }
0x7f: {  	v35 =	vmax.f32 v12, v39;
	v39 =	vmin.f32 v10, v62;
	v24 =	vadd.f32 v29, v8;
	v63 =	vpop (erf)  }
0x80: {  	v30 =	vld [tilespmem:s30+$0x1910];
	v29 =	vmax.f32 v12, v59;
	v37 =	vmin.f32 v10, v31;
	v40 =	vmul.f32 v63, v28  }
0x81: {  	s0 =	simm.s32 $0x200;
	s31 =	smov.u32 s6;
	v31 =	vmax.f32 v11, v43;
	v29 =	vsub.f32 v48, v29;
	v28 =	vsub.f32 v46, v45;
	v41 =	vpop (erf)  }
.LBB2_5:
0x82: {  	p1 =	sne.s32 s0, $0x1300;
	v35 =	vsub.f32 v37, v35;
	vm11 =	vgt.f32 v40, $5.000000000e-01;
	v23 =	vmul.f32 v41, v23;
	v37 =	vld [tilespmem:s30+$0x1920]  }
0x83: {  	v38 =	vsub.f32 v39, v38;
	v34 =	vsub.f32 v36, v34;
	v36 =	vld [tilespmem:s29+$0x1430];
	v32 =	vsel vm11, $0xCE6E6B28, v32;
	v39 =	vpop (erf)  }
0x84: {  	s1 =	sshra.s32 s0, $0x2;
	[tilespmem:s30+$0x1900] =	vst v32;
	vm11 =	vgt.f32 v32, v13;
	vm12 =	vgt.f32 v23, $5.000000000e-01;
	v22 =	vmul.f32 v39, v22;
	v23 =	vld [tilespmem:s30+$0x1930]  }
0x85: {  	v39 =	vld [tilespmem:s1+$0x1420];
	v13 =	vsel vm11, v32, v13;
	v14 =	vsel vm11, v17, v14;
	v17 =	vsel vm12, $0xCE6E6B28, v30;
	v30 =	vpop (erf)  }
0x86: {  	v32 =	vld [tilespmem:s1+$0x1410];
	[tilespmem:s30+$0x1910] =	vst v17;
	vm11 =	vgt.f32 v17, v13;
	vm12 =	vgt.f32 v22, $5.000000000e-01;
	v20 =	vmul.f32 v30, v20  }
0x87: {  	v30 =	vld [tilespmem:s1+$0x30];
	v13 =	vsel vm11, v17, v13;
	v14 =	vsel vm11, v18, v14;
	v17 =	vsel vm12, $0xCE6E6B28, v37  }
0x88: {  	v18 =	vsub.f32 v33, v31;
	v37 =	vld [tilespmem:s1+$0x530];
	[tilespmem:s30+$0x1920] =	vst v17;
	vm11 =	vgt.f32 v17, v13;
	vm12 =	vgt.f32 v20, $5.000000000e-01  }
0x89: {  	v31 =	vld [tilespmem:s1+$0xA30];
	v13 =	vsel vm11, v17, v13;
	v14 =	vsel vm11, v16, v14;
	v16 =	vsel vm12, $0xCE6E6B28, v23  }
0x8a: {  	v17 =	vmax.f32 v38, $0.0e+00;
	v18 =	vmax.f32 v18, $0.0e+00;
	v33 =	vld [tilespmem:s1+$0xF30];
	[tilespmem:s30+$0x1930] =	vst v16;
	vm11 =	vgt.f32 v16, v13;
	s30 =	smov.u32 s29;
	s29 =	smov.u32 s1  }
0x8b: {  	v40 =	vmul.f32 v18, v17;
	v38 =	vld [tilespmem:s29+$0x1400];
	v13 =	vsel vm11, v16, v13;
	v14 =	vsel vm11, v15, v14  }
0x8c: {  	v17 =	vsub.f32 v26, v25;
	v15 =	vmax.f32 v35, $0.0e+00;
	v16 =	vmax.f32 v34, $0.0e+00;
	v41 =	vld [tilespmem:s29+$0x20]  }
0x8d: {  	v18 =	vsub.f32 v24, v40;
	v23 =	vmul.f32 v16, v15;
	v15 =	vmax.f32 v27, $0.0e+00;
	v25 =	vld [tilespmem:s29+$0x520]  }
0x8e: {  	v20 =	vmax.f32 v28, $0.0e+00;
	v16 =	vmax.f32 v29, $0.0e+00;
	v17 =	vmax.f32 v17, $0.0e+00;
	v26 =	vld [tilespmem:s29+$0xA20]  }
0x8f: {  	v22 =	vmul.f32 v17, v16;
	v18 =	vadd.f32 $9.999999930e-09, v18;
	v21 =	vsub.f32 v21, v23;
	v27 =	vld [tilespmem:s29+$0xF20]  }
0x90: {  	s31 =	sadd.s32 $0x40, s31;
	v24 =	vadd.f32 v36, v8;
	v20 =	vmul.f32 v20, v15;
	v28 =	vld [tilespmem:s29+$0x10]  }
0x91: {  	s25 =	sadd.s32 $0x30, s31;
	s1 =	sadd.s32 $0x20, s31;
	v19 =	vsub.f32 v19, v22;
	v21 =	vadd.f32 $9.999999930e-09, v21;
	v29 =	vld [tilespmem:s29+$0x510];
	(erf) = vrcp.f32 v18  }
0x92: {  	v17 =	vor.u32 s31, v1;
	v16 =	vor.u32 s1, v1;
	v15 =	vor.u32 s25, v1;
	v36 =	vld [tilespmem:s29+$0xA10]  }
0x93: {  	s1 =	sadd.s32 $0x10, s31;
	v24 =	vsub.f32 v24, v20;
	v34 =	vadd.f32 $9.999999930e-09, v19;
	v42 =	vld [tilespmem:s29+$0xF10];
	(erf) = vrcp.f32 v21  }
0x94: {  	v19 =	vadd.f32 v39, v8;
	v18 =	vor.u32 s1, v1;
	v21 =	vadd.f32 v32, v8;
	v43 =	vld [tilespmem:s29+$0x0]  }
0x95: {  	v30 =	vmax.f32 v12, v30;
	v32 =	vadd.f32 $9.999999930e-09, v24;
	v39 =	vld [tilespmem:s29+$0x500];
	(erf) = vrcp.f32 v34  }
0x96: {  	v45 =	vmax.f32 v11, v37;
	v46 =	vmin.f32 v10, v31;
	v47 =	vmin.f32 v9, v33;
	v44 =	vld [tilespmem:s29+$0xA00]  }
0x97: {  	v41 =	vmax.f32 v12, v41;
	v24 =	vadd.f32 v38, v8;
	v33 =	vld [tilespmem:s29+$0xF00];
	(erf) = vrcp.f32 v32  }
.Ltmp5:
0x98: {  	v25 =	vmax.f32 v11, v25;
	v48 =	vmin.f32 v10, v26;
	v26 =	vmin.f32 v9, v27;
	(pc) =	sbr.rel @p1 .LBB2_5-.Ltmp5, $4  }
0x99: {  	v35 =	vmax.f32 v12, v28;
	v34 =	vmax.f32 v11, v29;
	v37 =	vmin.f32 v10, v36;
	v32 =	vld [tilespmem:s30+$0x1900]  }
0x9a: {  	v36 =	vmin.f32 v9, v42;
	v38 =	vmax.f32 v12, v43;
	v31 =	vmax.f32 v11, v39;
	v28 =	vpop (erf)  }
0x9b: {  	v27 =	vsub.f32 v46, v30;
	v39 =	vmin.f32 v10, v44;
	v40 =	vmul.f32 v28, v40;
	v30 =	vld [tilespmem:s30+$0x1910]  }
0x9c: {  	s0 =	sadd.s32 $0x100, s0;
	v29 =	vsub.f32 v48, v41;
	v28 =	vsub.f32 v47, v45;
	v33 =	vmin.f32 v9, v33;
	v41 =	vpop (erf)  }
0x9d: {  	v9 =	vsub.f32 v39, v38;
	v10 =	vsub.f32 v33, v31  }
0x9e: {  	v11 =	vsub.f32 v37, v35  }
0x9f: {  	v12 =	vsub.f32 v36, v34;
	v9 =	vmax.f32 v9, $0.0e+00;
	v10 =	vmax.f32 v10, $0.0e+00  }
0xa0: {  	vm11 =	vgt.f32 v40, $5.000000000e-01;
	v40 =	vld [tilespmem:s29+$0x1430];
	v9 =	vmul.f32 v10, v9  }
0xa1: {  	v25 =	vsub.f32 v26, v25;
	v11 =	vmax.f32 v11, $0.0e+00;
	v12 =	vmax.f32 v12, $0.0e+00  }
0xa2: {  	v27 =	vmax.f32 v27, $0.0e+00;
	v11 =	vmul.f32 v12, v11;
	v24 =	vsub.f32 v24, v9  }
0xa3: {  	v43 =	vmax.f32 v29, $0.0e+00;
	v45 =	vmax.f32 v28, $0.0e+00;
	v25 =	vmax.f32 v25, $0.0e+00  }
0xa4: {  	v12 =	vmul.f32 v25, v43;
	v21 =	vsub.f32 v21, v11;
	v24 =	vadd.f32 $9.999999930e-09, v24  }
0xa5: {  	v10 =	vmul.f32 v41, v23;
	v25 =	vmul.f32 v45, v27;
	v8 =	vadd.f32 v40, v8  }
0xa6: {  	v44 =	vld [tilespmem:s30+$0x1920];
	v41 =	vpop (erf);
	v19 =	vsub.f32 v19, v12;
	v21 =	vadd.f32 $9.999999930e-09, v21;
	(erf) = vrcp.f32 v24  }
0xa7: {  	v46 =	vld [tilespmem:s30+$0x1930];
	v42 =	vsel vm11, $0xCE6E6B28, v32;
	v22 =	vmul.f32 v41, v22  }
0xa8: {  	v47 =	vpop (erf);
	v19 =	vadd.f32 $9.999999930e-09, v19;
	v8 =	vsub.f32 v8, v25;
	(erf) = vrcp.f32 v21  }
0xa9: {  	vm11 =	vgt.f32 v10, $5.000000000e-01;
	v10 =	vmul.f32 v47, v20;
	vm12 =	vgt.f32 v22, $5.000000000e-01  }
0xaa: {  	[tilespmem:s30+$0x1900] =	vst v42;
	v48 =	vsel vm11, $0xCE6E6B28, v30;
	v8 =	vadd.f32 $9.999999930e-09, v8;
	(erf) = vrcp.f32 v19  }
0xab: {  	v49 =	vsel vm12, $0xCE6E6B28, v44;
	[tilespmem:s30+$0x1910] =	vst v48;
	vm11 =	vgt.f32 v10, $5.000000000e-01  }
0xac: {  	[tilespmem:s30+$0x1920] =	vst v49;
	v10 =	vsel vm11, $0xCE6E6B28, v46;
	vm11 =	vgt.f32 v42, v13;
	(erf) = vrcp.f32 v8  }
0xad: {  	[tilespmem:s30+$0x1930] =	vst v10;
	v8 =	vsel vm11, v42, v13  }
0xae: {  	v50 =	vld [tilespmem:s29+$0x1900];
	vm12 =	vgt.f32 v48, v8  }
0xaf: {  	v8 =	vsel vm12, v48, v8;
	v51 =	vpop (erf)  }
0xb0: {  	v52 =	vld [tilespmem:s29+$0x1910];
	vm13 =	vgt.f32 v49, v8;
	v9 =	vmul.f32 v51, v9  }
0xb1: {  	v8 =	vsel vm13, v49, v8;
	v53 =	vpop (erf)  }
0xb2: {  	vm15 =	vgt.f32 v10, v8;
	vm14 =	vgt.f32 v9, $5.000000000e-01;
	v9 =	vmul.f32 v53, v11;
	v11 =	vld [tilespmem:s29+$0x1920]  }
0xb3: {  	v8 =	vsel vm15, v10, v8;
	v10 =	vpop (erf);
	v13 =	vsel vm14, $0xCE6E6B28, v50  }
0xb4: {  	vm14 =	vgt.f32 v13, v8;
	vm7 =	vgt.f32 v9, $5.000000000e-01;
	v9 =	vmul.f32 v10, v12;
	v10 =	vld [tilespmem:s29+$0x1930]  }
0xb5: {  	v55 =	vpop (erf);
	v8 =	vsel vm14, v13, v8;
	v54 =	vsel vm7, $0xCE6E6B28, v52  }
0xb6: {  	vm7 =	vgt.f32 v54, v8;
	vm8 =	vgt.f32 v9, $5.000000000e-01;
	v9 =	vmul.f32 v55, v25  }
0xb7: {  	v8 =	vsel vm7, v54, v8;
	v11 =	vsel vm8, $0xCE6E6B28, v11  }
0xb8: {  	vm8 =	vgt.f32 v11, v8;
	vm9 =	vgt.f32 v9, $5.000000000e-01  }
0xb9: {  	v8 =	vsel vm8, v11, v8;
	v9 =	vsel vm9, $0xCE6E6B28, v10  }
0xba: {  	vm9 =	vgt.f32 v9, v8  }
0xbb: {  	v8 =	vsel vm9, v9, v8  }
0xbc: {  	(xrf0) =	vmax.scan.msk.f32 $0xffff, v8  }
0xbd: {  	v10 =	vsel vm11, v17, v14  }
0xbe: {  	v10 =	vsel vm12, v18, v10  }
0xbf: {  	s0 =	sadd.s32 $0x40, s31;
	v10 =	vsel vm13, v16, v10  }
0xc0: {  	v56 =	vor.u32 s0, v1;
	s1 =	sadd.s32 $0x10, s0;
	v10 =	vsel vm15, v15, v10  }
0xc1: {  	s25 =	sadd.s32 $0x20, s0;
	v57 =	vor.u32 s1, v1;
	v10 =	vsel vm14, v56, v10  }
0xc2: {  	s0 =	sadd.s32 $0x30, s0;
	v58 =	vor.u32 s25, v1;
	v10 =	vsel vm7, v57, v10;
	v59, _, _ =	vpop (xrf0)  }
0xc3: {  	v60 =	vor.u32 s0, v1;
	v10 =	vsel vm8, v58, v10;
	v61 =	vbroadcast v59, $0xF  }
0xc4: {  	v10 =	vsel vm9, v60, v10  }
0xc5: {  	vm7 =	veq.f32 v8, v61;
	v8 =	vxor.u32 $0x80000000, v10  }
0xc6: {  	v8 =	vnsel vm7, $0xFFFFFFFF, v8  }
0xc7: {  	(xrf0) =	vmin.scan.msk.u32 $0xffff, v8;
	_ =	sdelay $0x5  }
0xc8: {  	v8, _, _ =	vpop (xrf0)  }
0xc9: {  	(v2sf) =	vpush v8, $0xF;
	_ =	sdelay $0xe  }
0xca: {  	s1 =	spop (v2sf)  }
0xcb: {  	s0 =	sxor.u32 $0x80000000, s1  }
0xcc: {  	s25 =	ssub.s32 s0, s6  }
0xcd: {  	v8 =	vmov s25  }
0xce: {  	[tilespmem:s29+$0x1900] =	vst v13  }
0xcf: {  	[tilespmem:s29+$0x1910] =	vst v54  }
0xd0: {  	[tilespmem:s29+$0x1920] =	vst v11  }
0xd1: {  	[tilespmem:s29+$0x1930] =	vst v9  }
0xd2: {  	v9 =	vld.idx.msk [tilespmem:v8+s3+$0x0], $0xffff  }
0xd3: {  	v10 =	vld.idx.msk [tilespmem:v8+s18+$0x0], $0xffff  }
0xd4: {  	s0 =	scvt.s32.f32 s0;
	v11 =	vld.idx.msk [tilespmem:v8+s19+$0x0], $0xffff  }
0xd5: {  	v62 =	vnsel vm0, $0x0, v61;
	vm7 =	veq.s32 v1, $0x1;
	v63 =	vld.idx.msk [tilespmem:v8+s20+$0x0], $0xffff  }
0xd6: {  	v12 =	vsel vm7, s0, v62;
	v8 =	vld.idx.msk [tilespmem:v8+s22+$0x0], $0xffff  }
0xd7: {  	v9 =	vsel vm1, v12, v9  }
0xd8: {  	s30 =	sshll.u32 s28, $0xB;
	v9 =	vsel vm2, v9, v10  }
0xd9: {  	s1 =	sand.u32 $0x800, s30;
	s0 =	sadd.s32 $0x1, s28;
	v9 =	vsel vm3, v9, v11  }
0xda: {  	s1 =	sor.u32 s4, s1;
	s31 =	scvt.s32.f32 s0;
	v9 =	vsel vm4, v9, v63  }
0xdb: {  	s29 =	sor.u32 s5, s1;
	v8 =	vsel vm5, v9, v8  }
0xdc: {  	s29 =	sshrl.u32 s29, $0x3;
	v8 =	vnsel vm6, s31, v8  }
0xdd: {  	s1 =	sshrl.u32 s1, $0x3;
	s29 =	sadd.s32 s2, s29;
	[tilespmem:$0x2600] =	vst v8  }
0xde: {  	[hbm4b:s29+s3] =	stream.linear.scatter [tilespmem:s16], [sflag:$0x1], $0x80, $0x38;
	[tilespmem:$0x2D00] =	vst v63  }
0xdf: {  	v8 =	vmov s31;
	s29 =	sadd.s32 s2, s1  }
.LBB2_7:
0xe0: {  	[tilespmem:s23], [sflag:$0x2] =	stream.linear.gather [hbm4b:s29+s3], $0x800, $0x38;
	[tilespmem:$0x2D00] =	vst v63  }
0xe1: {  	_ =	swait.ge [sflag:s17], $0x800  }
0xe2: {  	[sflag:s17] =	ssyncset.done $0x0  }
0xe3: {  	[sflag:s17] =	ssyncadd.s32 $0xFFFFF800  }
0xe4: {  	v9 =	vld.idx.msk [tilespmem:v3+s23+$0x0], $0xffff  }
0xe5: {  	v10 =	vld.idx.msk [tilespmem:v4+s23+$0x0], $0xffff  }
0xe6: {  	v11 =	vld.idx.msk [tilespmem:v5+s23+$0x0], $0xffff;
	_ =	sdelay $0x3  }
0xe7: {  	vm7 =	veq.f32 v9, v8;
	vm8 =	veq.f32 v10, v8  }
0xe8: {  	vm7 =	vmand vm7, vm8;
	vm8 =	veq.f32 v11, v8  }
0xe9: {  	vm7 =	vmand vm7, vm8  }
0xea: {  	v9 =	vsel vm7, $0x1, v6  }
0xeb: {  	v9 =	vor.u32 $0x80000000, v9  }
0xec: {  	(xrf0) =	vmin.scan.msk.u32 $0xffff, v9;
	_ =	sdelay $0x5  }
0xed: {  	v9, _, _ =	vpop (xrf0)  }
0xee: {  	(v2sf) =	vpush v9, $0xF;
	_ =	sdelay $0xe  }
0xef: {  	s1 =	spop (v2sf)  }
0xf0: {  	p1 =	seq.s32 s1, $0x80000000  }
.Ltmp6:
0xf1: {  	_ = 	snop;
	(pc) =	sbr.rel @p1 .LBB2_7-.Ltmp6, $1  }
0xf2: {  	_ =	sdelay $0x3  }
0xf3: {  	_ = 	snop  }
0xf4: {  	_ =	swait.ge [sflag:s24], $0x80  }
0xf5: {  	[sflag:s24] =	ssyncset.done $0x0  }
0xf6: {  	[sflag:s24] =	ssyncadd.s32 $0xFFFFFF80  }
0xf7: {  	v8 =	vld.idx.msk [tilespmem:v2+s23+$0x0], $0xffff;
	_ =	sdelay $0x4  }
0xf8: {  	(xrf0) =	vmax.scan.msk.f32 $0xffff, v8;
	_ =	sdelay $0x4  }
0xf9: {  	v9 =	vld.idx.msk [tilespmem:v7+s23+$0x0], $0xffff  }
0xfa: {  	v14, _, _ =	vpop (xrf0)  }
0xfb: {  	v10 =	vbroadcast v14, $0xF;
	_ =	sdelay $0x1  }
0xfc: {  	vm7 =	veq.f32 v8, v10  }
0xfd: {  	v8 =	vnsel vm7, $0x7F61B1E6, v9  }
0xfe: {  	(xrf0) =	vmin.scan.msk.f32 $0xffff, v8;
	_ =	sdelay $0x5  }
0xff: {  	v13, _, _ =	vpop (xrf0)  }
0x100: {  	(v2sf) =	vpush v13, $0xF;
	_ =	sdelay $0xe  }
0x101: {  	s1 =	spop (v2sf)  }
0x102: {  	s1 =	scvt.f32.s32 s1;
	_ =	sdelay $0x1  }
0x103: {  	s25 =	smulhi.u32 $0x66666667, s1;
	s29 =	sshra.s32 s1, $0x1F  }
0x104: {  	s29 =	smul.u32 $0x66666667, s29;
	_ =	sdelay $0x1  }
0x105: {  	s25 =	sadd.s32 s29, s25  }
0x106: {  	s29 =	sshrl.u32 s25, $0x1F;
	s25 =	sshra.s32 s25, $0x9  }
0x107: {  	s25 =	sadd.s32 s29, s25  }
0x108: {  	s29 =	smul.u32 $0xFFFFFB00, s25  }
0x109: {  	s30 =	ssub.s32 $0x0, s1  }
0x10a: {  	p1 =	slt.s32 s1, $0x1;
	p2 =	sne.s32 s29, s30  }
0x10b: {  	p1 =	por !p1, !p2  }
0x10c: {  	s1 =	simm.s32 $0x1;
	p1 =	por !p1, !p1  }
0x10d: {  	s1 =	simm.s32 @!p1 $0x0  }
0x10e: {  	s1 =	ssub.s32 s25, s1  }
0x10f: {  	s1 =	sshll.u32 s1, $0x7  }
0x110: {  	v8 =	vmov s1  }
0x111: {  	v9 =	vor.u32 $0x2, v8  }
0x112: {  	v10 =	vor.u32 $0x3, v8  }
0x113: {  	v15 =	vor.u32 $0x4, v8  }
0x114: {  	v16 =	vor.u32 $0x5, v8  }
0x115: {  	v8 =	vor.u32 $0x6, v8  }
.Ltmp7:
0x116: {  	v12 =	vld.idx.msk [tilespmem:v9+s23+$0x0], $0xffff;
	(pc) =	sbr.rel @!p0 .LBB2_9-.Ltmp7, $4  }
0x117: {  	v11 =	vld.idx.msk [tilespmem:v10+s23+$0x0], $0xffff  }
0x118: {  	v10 =	vld.idx.msk [tilespmem:v15+s23+$0x0], $0xffff  }
0x119: {  	v9 =	vld.idx.msk [tilespmem:v16+s23+$0x0], $0xffff  }
0x11a: {  	v8 =	vld.idx.msk [tilespmem:v8+s23+$0x0], $0xffff  }
0x11b: {  	p1 =	seq.s32 s0, $0x64  }
.Ltmp8:
0x11c: {  	_ = 	snop;
	(pc) =	sbr.rel @!p1 .LBB2_4-.Ltmp8, $4  }
.Ltmp9:
0x11d: {  	_ = 	snop;
	(pc) =	sbr.rel @p1 .LBB2_11-.Ltmp9, $4  }
0x11e: {  	_ = 	snop  }
0x11f: {  	_ = 	snop  }
0x120: {  	s28 =	smov.u32 s0  }
0x121: {  	_ = 	snop  }
.LBB2_12:
0x122: {  	_ =	sfence.sel $0x180000  }
0x123: {  	[bflag:$0x0] =	sbarrier.arrive $0xFFFF  }
0x124: {  	_ =	strace $0x90000047  }
0x125: {  	s0 =	stileid.u32;
	[bflag:$0x2] =	sbarrier.arrive $0xFFFF  }
0x126: {  	p0 =	sne.s32 s0, $0x0;
	s0 =	rddreg [dreg:$0x2]  }
0x127: {  	s0 =	sadd.s32 @!p0 $0x100000, s0  }
0x128: {  	[sflag:s0] =	ssyncadd.tile.s32 @!p0 $0x1;
	_ =	shalt  }
.Lfunc_end2:
_tile_overlayer_lowered:
.L_overlay_start_2:
0x129: {  	(tag) =	ssettag $0x2  }
0x12a: {  	s0 =	rddreg [dreg:$0x0];
	s2 =	stileid.u32  }
0x12b: {  	s1 =	rddreg [dreg:$0x1];
	p0 =	sne.s32 s2, $0x0  }
0x12c: {  	s3 =	rddreg [dreg:$0x2];
	[bflag:$0x3] =	sbarrier.arrive $0xFFFF;
	s2 =	simm.s32 @!p0 $0x1C02  }
0x12d: {  	[timem:s3], [sflag:s2] =	dma.local @!p0 [hbm:s0], s1  }
0x12e: {  	s0 =	simm.s32 @!p0 $0x2  }
0x12f: {  	_ =	swait.ge @!p0 [sflag:s0], s1  }
0x130: {  	s1 =	ssub.s32 @!p0 $0x0, s1;
	[sflag:s0] =	ssyncset.done @!p0 $0x0  }
0x131: {  	[sflag:s0] =	ssyncadd.s32 @!p0 s1  }
0x132: {  	[bflag:$0x3] =	sbarrier.arrive $0xFFFF  }
0x133: {  	_ =	shalt  }

</sc_bundles>
